<compile_context>
chip_gen: v7x
topology: tpu7x:2x2x1
jax: 0.10.2.dev20260603
libtpu: 0.0.44.dev20260713+nightly
codegen_flags: <defaults>
</compile_context>

<pallas_src>
import dataclasses
import functools

import jax
import jax.numpy as jnp
from jax import lax
from jax.experimental import pallas as pl
from jax.experimental.pallas import tpu as pltpu
from jax.experimental.pallas import tpu_sc as plsc

MAX_SCORE = 2.0
P = 70
PP = 80
L = 16
NC = 2
NS = 16
NW = NC * NS



@functools.lru_cache(maxsize=None)
def _make_sc_segment_sums(N, D, chunk):
    tokw = N // NW
    npairs = tokw // (2 * chunk)
    mesh = plsc.VectorSubcoreMesh(core_axis_name="c", subcore_axis_name="s")
    cp = pltpu.CompilerParams()
    if "needs_layout_passes" in pltpu.CompilerParams.__dataclass_fields__:
        cp = dataclasses.replace(cp, needs_layout_passes=False)

    @functools.partial(
        pl.kernel,
        mesh=mesh,
        out_type=[
            jax.ShapeDtypeStruct((NW * PP * D,), jnp.float32),
            jax.ShapeDtypeStruct((NW, PP), jnp.float32),
            jax.ShapeDtypeStruct((NW, PP), jnp.float32),
        ],
        scratch_types=[
            pltpu.VMEM((chunk * D,), jnp.float32),
            pltpu.VMEM((chunk * D,), jnp.float32),
            pltpu.VMEM((tokw,), jnp.int32),
            pltpu.VMEM((tokw,), jnp.float32),
            pltpu.VMEM((PP * D,), jnp.float32),
            pltpu.VMEM((L * PP,), jnp.float32),
            pltpu.VMEM((L * PP,), jnp.float32),
            pltpu.VMEM((PP,), jnp.float32),
            pltpu.VMEM((PP,), jnp.float32),
            pltpu.SemaphoreType.DMA,
            pltpu.SemaphoreType.DMA,
        ],
        compiler_params=cp,
    )
    def sc_segment_sums(feat_hbm, phn_hbm, sc_hbm, cent_out, cnt_out, hc_out,
                        buf0, buf1, phn_v, sc_v, acc_v,
                        cnt16_v, hc16_v, cntred_v, hcred_v, sem0, sem1):
        cid = lax.axis_index("c")
        sid = lax.axis_index("s")
        wid = sid * NC + cid
        lane = lax.iota(jnp.int32, L)
        lane_pp = lane * PP
        zeros = jnp.zeros((L,), jnp.float32)
        base = wid * tokw

        @pl.loop(0, PP * D, step=L)
        def _(i):
            acc_v[pl.ds(i, L)] = zeros

        @pl.loop(0, L * PP, step=L)
        def _(i):
            cnt16_v[pl.ds(i, L)] = zeros
            hc16_v[pl.ds(i, L)] = zeros

        pltpu.sync_copy(phn_hbm.at[pl.ds(base, tokw)], phn_v)
        pltpu.sync_copy(sc_hbm.at[pl.ds(base, tokw)], sc_v)

        @pl.loop(0, tokw, step=L)
        def _(i):
            idxp = phn_v[pl.ds(i, L)]
            s = sc_v[pl.ds(i, L)]
            valid = s >= 0.0
            vf = jnp.where(valid, 1.0, 0.0)
            is2 = jnp.where(valid & (s == MAX_SCORE), 1.0, 0.0)
            plsc.addupdate_scatter(cnt16_v, [lane_pp + idxp], vf)
            plsc.addupdate_scatter(hc16_v, [lane_pp + idxp], is2)

        def feat_copy(ci, buf, sem):
            return pltpu.make_async_copy(
                feat_hbm.at[pl.ds((base + ci * chunk) * D, chunk * D)],
                buf, sem)

        def process(coff, buf):
            @pl.loop(0, chunk, step=2 * L)
            def _(g):
                idxp0 = phn_v[pl.ds(coff + g, L)]
                s0 = sc_v[pl.ds(coff + g, L)]
                idxp1 = phn_v[pl.ds(coff + g + L, L)]
                s1 = sc_v[pl.ds(coff + g + L, L)]
                valid0 = s0 >= 0.0
                valid1 = s1 >= 0.0
                tokbase0 = (g + lane) * D
                tokbase1 = tokbase0 + L * D
                phnbase0 = idxp0 * D
                phnbase1 = idxp1 * D

                @plsc.parallel_loop(0, D, 1, unroll=4, carry=lane)
                def _(c, col):
                    vals0 = plsc.load_gather(buf, [tokbase0 + col])
                    plsc.addupdate_scatter(acc_v, [phnbase0 + col], vals0,
                                           mask=valid0)
                    vals1 = plsc.load_gather(buf, [tokbase1 + col])
                    plsc.addupdate_scatter(acc_v, [phnbase1 + col], vals1,
                                           mask=valid1)
                    return (col + 1) & (D - 1)

        feat_copy(0, buf0, sem0).start()

        @pl.loop(0, npairs)
        def _(i):
            ci = i * 2
            feat_copy(ci, buf0, sem0).wait()
            feat_copy(ci + 1, buf1, sem1).start()
            process(ci * chunk, buf0)
            feat_copy(ci + 1, buf1, sem1).wait()

            @pl.when(i < npairs - 1)
            def _():
                feat_copy(ci + 2, buf0, sem0).start()

            process((ci + 1) * chunk, buf1)

        for j in range(PP // L):
            v = zeros
            h = zeros
            for r in range(L):
                v = v + cnt16_v[pl.ds(r * PP + j * L, L)]
                h = h + hc16_v[pl.ds(r * PP + j * L, L)]
            cntred_v[pl.ds(j * L, L)] = v
            hcred_v[pl.ds(j * L, L)] = h

        pltpu.sync_copy(acc_v, cent_out.at[pl.ds(wid * (PP * D), PP * D)])
        pltpu.sync_copy(cntred_v, cnt_out.at[wid])
        pltpu.sync_copy(hcred_v, hc_out.at[wid])

    return sc_segment_sums



_ENC = 1024.0


def _tc_body(NB, TB, D, lam_ref, feat_ref, pk_ref, cent_ref, cnt_ref,
             hc_ref, out_ref, p_scr, cc_scr, smem):
    i = pl.program_id(0)
    f32 = jnp.float32
    dotp = dict(preferred_element_type=f32, precision=lax.Precision.HIGHEST)

    @pl.when(i == 0)
    def _():
        cnt = cnt_ref[...]
        hc = hc_ref[...]
        csum = cent_ref[pl.ds(0, PP), :]
        for w in range(1, NW):
            csum = csum + cent_ref[pl.ds(w * PP, PP), :]
        ones_c = jnp.ones((NW, 1), f32)
        ones_r = jnp.ones((1, NW), f32)
        cn_col = lax.dot_general(cnt, ones_c, (((0,), (0,)), ((), ())), **dotp)
        hc_col = lax.dot_general(hc, ones_c, (((0,), (0,)), ((), ())), **dotp)
        cn_row = lax.dot_general(ones_r, cnt, (((1,), (0,)), ((), ())), **dotp)
        hc_row = lax.dot_general(ones_r, hc, (((1,), (0,)), ((), ())), **dotp)
        presc = hc_col > 0.0
        presr = hc_row > 0.0
        counts_col = jnp.where(presc, cn_col, 0.0)
        counts_row = jnp.where(presr, cn_row, 0.0)
        center = csum / jnp.maximum(counts_col, 1.0)
        cn2 = jnp.sum(center * center, axis=1, keepdims=True)
        inv = 1.0 / jnp.maximum(jnp.sqrt(cn2), 1e-12)
        pmat = center * inv
        cc_col = cn2 * inv * inv
        pg = lax.dot_general(pmat, pmat, (((1,), (1,)), ((), ())), **dotp)
        r0 = lax.broadcasted_iota(jnp.int32, (PP, PP), 0)
        r1 = lax.broadcasted_iota(jnp.int32, (PP, PP), 1)
        eye = jnp.where(r0 == r1, 1.0, 0.0)
        cc_c = jnp.sum(pg * eye, axis=1, keepdims=True)
        cc_r = jnp.sum(pg * eye, axis=0, keepdims=True)
        dist = jnp.sqrt(jnp.maximum(cc_c + cc_r - 2.0 * pg, 1e-12))
        pairm = jnp.where((r0 < r1) & presc & presr, 1.0, 0.0)
        divden = jnp.sum(pairm)
        smem[3] = jnp.sum(dist * pairm) / jnp.maximum(divden, 1.0)
        smem[4] = jnp.sum(counts_row)
        smem[5] = jnp.sum(jnp.where(presr, 1.0, 0.0))
        smem[0] = 0.0
        smem[1] = 0.0
        smem[2] = 0.0
        p_scr[...] = pmat.astype(jnp.bfloat16)
        presf = jnp.where(presc, 1.0, 0.0)
        cc_scr[...] = jnp.where(presc, cc_col, 0.0) + _ENC * presf

    fb = feat_ref[...].astype(jnp.bfloat16)
    gt = lax.dot_general(p_scr[...], fb, (((1,), (1,)), ((), ())),
                         preferred_element_type=f32)
    sqt = lax.dot_general(
        jnp.ones((1, D), jnp.bfloat16), fb * fb, (((1,), (1,)), ((), ())),
        preferred_element_type=f32)
    pk = pk_ref[0]
    phnrow = pk & 127
    srow = lax.shift_right_logical(pk, 7).astype(f32)
    iota_p = lax.broadcasted_iota(jnp.int32, (PP, TB), 0)
    oh = jnp.where(phnrow == iota_p, 1.0, 0.0)
    fninv = 1.0 / jnp.maximum(jnp.sqrt(sqt), 1e-12)
    fnfn = sqt * fninv * fninv
    m = cc_scr[...] - (2.0 * fninv) * gt
    sel2 = jnp.sum(oh * m, axis=0, keepdims=True)
    pres_t = sel2 > 0.5 * _ENC
    diff = fnfn + sel2 - _ENC * jnp.where(pres_t, 1.0, 0.0)
    nz = pres_t & (diff > 0.0)
    nzf = jnp.where(nz, 1.0, 0.0)
    contrib = jnp.sqrt(jnp.maximum(diff, 0.0)) * nzf
    smem[0] += jnp.sum(contrib * (MAX_SCORE - srow))
    smem[1] += jnp.sum(contrib)
    smem[2] += jnp.sum(nzf)

    s2 = smem[2]
    tight = (smem[0] + lam_ref[2] * smem[1]) / jnp.maximum(s2, 1.0)
    loss = jnp.where(s2 > 0.0,
                     lam_ref[1] * tight - lam_ref[0] * smem[3],
                     -lam_ref[0] * smem[3])
    out_ref[0] = jnp.where((smem[4] > 0.0) & (smem[5] >= 2.0), loss, 0.0)


@functools.lru_cache(maxsize=None)
def _make_tc_loss(N, D, NB, TB, interpret=False):
    body = functools.partial(_tc_body, NB, TB, D)
    return pl.pallas_call(
        body,
        grid=(NB,),
        in_specs=[
            pl.BlockSpec(memory_space=pltpu.SMEM),
            pl.BlockSpec((TB, D), lambda i: (i, 0)),
            pl.BlockSpec((1, 1, TB), lambda i: (i, 0, 0)),
            pl.BlockSpec((NW * PP, D), lambda i: (0, 0)),
            pl.BlockSpec((NW, PP), lambda i: (0, 0)),
            pl.BlockSpec((NW, PP), lambda i: (0, 0)),
        ],
        out_specs=pl.BlockSpec(memory_space=pltpu.SMEM),
        out_shape=jax.ShapeDtypeStruct((1,), jnp.float32),
        scratch_shapes=[
            pltpu.VMEM((PP, D), jnp.bfloat16),
            pltpu.VMEM((PP, 1), jnp.float32),
            pltpu.SMEM((8,), jnp.float32),
        ],
        interpret=interpret,
    )


def kernel(features, scores, phn_ids, lambda_d=0.5, lambda_t=0.1, margin=1.0):
    B, T, D = features.shape
    N = B * T
    feat2 = features.reshape(N, D)
    featf = features.reshape(-1)
    phn = phn_ids.reshape(-1).astype(jnp.int32)
    sc = scores.reshape(-1).astype(jnp.float32)

    cent_parts, cnt_parts, hc_parts = _make_sc_segment_sums(N, D, 256)(
        featf, phn, sc)
    cent2 = cent_parts.reshape(NW * PP, D)

    NB, TB = 8, N // 8
    lam = jnp.stack([jnp.asarray(lambda_d, jnp.float32),
                     jnp.asarray(lambda_t, jnp.float32),
                     jnp.asarray(margin, jnp.float32)])
    packed = phn | (sc.astype(jnp.int32) << 7)
    out = _make_tc_loss(N, D, NB, TB)(
        lam, feat2, packed.reshape(NB, 1, TB),
        cent2, cnt_parts, hc_parts)
    return out[0]

# --- scband reference (transcript-rebuilt; emitter-appended) ---
"""Pipeline reference for scband-ordinal-entropy-loss-11991548690433 (READ-ONLY COPY).

The authoritative reference and input builder live on the scoring server;
editing this copy changes nothing except your own understanding.
"""

import jax, jax.numpy as jnp
import numpy as np

MAX_PHONE_SCORE = 2.0
MIN_UNIQUE_PHONEMES = 2
NUM_PHONEMES = 70

def _normalize(x, eps=1e-12):
    n = jnp.linalg.norm(x, axis=1, keepdims=True)
    return x / jnp.maximum(n, eps)

def setup_inputs(seed: int = 0) -> dict:
    key = jax.random.key(seed)
    k1, k2, k3 = jax.random.split(key, 3)
    features = jax.random.normal(k1, (16, 4096, 128), dtype=jnp.float32)
    scores = jax.random.randint(k2, (16, 4096), 0, 3).astype(jnp.float32)
    phn_ids = jax.random.randint(k3, (16, 4096), 0, NUM_PHONEMES).astype(jnp.int64)
    return {
        "features": features,
        "scores": scores,
        "phn_ids": phn_ids,
        "lambda_d": jnp.asarray(0.5, dtype=jnp.float32),
        "lambda_t": jnp.asarray(0.1, dtype=jnp.float32),
        "margin": jnp.asarray(1.0, dtype=jnp.float32),
    }

def reference(features, scores, phn_ids, lambda_d=0.5, lambda_t=0.1, margin=1.0):
    d = features.shape[-1]
    flat_scores = scores.reshape(-1)
    flat_phn = phn_ids.reshape(-1)
    mask_valid = flat_scores >= 0
    mask_high = mask_valid & (flat_scores == MAX_PHONE_SCORE)
    high_count = jnp.zeros((NUM_PHONEMES,), dtype=jnp.float32).at[flat_phn].add(
        mask_high.astype(jnp.float32))
    is_high = high_count > 0
    keep = mask_valid & is_high[flat_phn]
    keep_f = keep.astype(features.dtype)
    flat_feat = features.reshape(-1, d)
    counts = jnp.zeros((NUM_PHONEMES,), dtype=features.dtype).at[flat_phn].add(keep_f)
    center = jnp.zeros((NUM_PHONEMES, d), dtype=features.dtype).at[flat_phn].add(
        flat_feat * keep_f[:, None])
    center = center / jnp.maximum(counts, 1.0)[:, None]
    center = _normalize(center)
    p = _normalize(center)
    xx = jnp.sum(p * p, axis=1, keepdims=True)
    dist = jnp.sqrt(jnp.clip(xx + xx.T - 2.0 * (p @ p.T), 1e-12, None))
    present = counts > 0
    triu = jnp.triu(jnp.ones((NUM_PHONEMES, NUM_PHONEMES), dtype=bool), k=1)
    pair_mask = (triu & present[:, None] & present[None, :]).astype(dist.dtype)
    diversity = jnp.sum(dist * pair_mask) / jnp.maximum(jnp.sum(pair_mask), 1.0)
    feats_norm = _normalize(flat_feat)
    feat_centers = p[flat_phn]
    diff_sq = jnp.sum((feats_norm - feat_centers) ** 2, axis=1)
    mask_nz = keep & (diff_sq > 0)
    nz_f = mask_nz.astype(diff_sq.dtype)
    ordinal_weight = MAX_PHONE_SCORE - flat_scores + margin
    tightness = jnp.sum(jnp.sqrt(diff_sq) * ordinal_weight * nz_f) / jnp.maximum(
        jnp.sum(nz_f), 1.0)
    n_keep = jnp.sum(keep_f)
    n_unique = jnp.sum(present.astype(jnp.int32))
    any_nz = jnp.sum(nz_f) > 0
    loss = jnp.where(any_nz,
                     lambda_t * tightness - lambda_d * diversity,
                     -lambda_d * diversity)
    return jnp.where((n_keep > 0) & (n_unique >= MIN_UNIQUE_PHONEMES),
                     loss,
                     jnp.array(0.0, dtype=jnp.float32))

if __name__ == "__main__":
    import jax
    _d = setup_inputs()
    print(jax.jit(kernel)(*tuple(_d.values())))

</pallas_src>

<mosaic_0001>
#map = affine_map<(d0, d1) -> (0)>
#map1 = affine_map<(d0, d1) -> (0, 0)>
module attributes {stable_mosaic.version = 14 : i64} {
  func.func @sc_segment_sums(%arg0: i32, %arg1: i32, %arg2: memref<8388608xf32, #tpu.memory_space<hbm>>, %arg3: memref<65536xi32, #tpu.memory_space<hbm>>, %arg4: memref<65536xf32, #tpu.memory_space<hbm>>, %arg5: memref<327680xf32, #tpu.memory_space<hbm>>, %arg6: memref<32x80xf32, #tpu.memory_space<hbm>>, %arg7: memref<32x80xf32, #tpu.memory_space<hbm>>, %arg8: memref<32768xf32, #tpu.memory_space<vmem>>, %arg9: memref<32768xf32, #tpu.memory_space<vmem>>, %arg10: memref<2048xi32, #tpu.memory_space<vmem>>, %arg11: memref<2048xf32, #tpu.memory_space<vmem>>, %arg12: memref<10240xf32, #tpu.memory_space<vmem>>, %arg13: memref<1280xf32, #tpu.memory_space<vmem>>, %arg14: memref<1280xf32, #tpu.memory_space<vmem>>, %arg15: memref<80xf32, #tpu.memory_space<vmem>>, %arg16: memref<80xf32, #tpu.memory_space<vmem>>, %arg17: memref<!tpu.dma_semaphore, #tpu.memory_space<semaphore_mem>>, %arg18: memref<!tpu.dma_semaphore, #tpu.memory_space<semaphore_mem>>) attributes {dimension_semantics = [#tpu.dimension_semantics<core_parallel>, #tpu.dimension_semantics<subcore_parallel>], iteration_bounds = array<i64: 2, 16>, scalar_prefetch = 0 : i64, scratch_operands = 11 : i64, tpu.core_type = #tpu.core_type<sc_vector_subcore>, window_params = [{transform_indices = #map}, {transform_indices = #map}, {transform_indices = #map}, {transform_indices = #map}, {transform_indices = #map1}, {transform_indices = #map1}]} {
    %mul3A = arith.constant 2 : i32
    %mul3A_0 = arith.muli %arg1, %mul3A : i32
    %add3A = arith.addi %mul3A_0, %arg0 : i32
    %iota3A = tpu.iota {dimensions = array<i32: 0>} : vector<16xi32>
    %mul3A_1 = arith.constant 80 : i32
    %mul3A_2 = vector.broadcast %mul3A_1 : i32 to vector<16xi32>
    %mul3A_3 = arith.muli %iota3A, %mul3A_2 : vector<16xi32>
    %broadcast_in_dim3A = arith.constant 0.000000e+00 : f32
    %broadcast_in_dim3A_4 = vector.broadcast %broadcast_in_dim3A : f32 to vector<16xf32>
    %mul3A_5 = arith.constant 2048 : i32
    %mul3A_6 = arith.muli %add3A, %mul3A_5 : i32
    %scan3A = arith.constant 0 : i32
    %scan3A_7 = arith.constant 640 : i32
    %scan3A_8 = arith.addi %scan3A, %scan3A_7 : i32
    %scan3A_9 = arith.constant 1 : i32
    scf.for %scan3A_531 = %scan3A to %scan3A_8 step %scan3A_9  : i32 {
      %mul3A_532 = arith.constant 16 : i32
      %mul3A_533 = arith.muli %scan3A_531, %mul3A_532 : i32
      %add3A_534 = arith.constant 0 : i32
      %add3A_535 = arith.addi %add3A_534, %mul3A_533 : i32
      %swap3A_536 = arith.index_cast %add3A_535 : i32 to index
      %swap3A_537 = tpu.vector_load %arg12[%swap3A_536] {strides = array<i32>} : memref<10240xf32, #tpu.memory_space<vmem>>, vector<16xf32>,
      tpu.vector_store %arg12[%swap3A_536], %broadcast_in_dim3A_4 {strides = array<i32>} : memref<10240xf32, #tpu.memory_space<vmem>>, vector<16xf32>,
    }
    %scan3A_10 = arith.constant 640 : i32
    %scan3A_11 = arith.constant 0 : i32
    %scan3A_12 = arith.constant 80 : i32
    %scan3A_13 = arith.addi %scan3A_11, %scan3A_12 : i32
    %scan3A_14 = arith.constant 1 : i32
    scf.for %scan3A_531 = %scan3A_11 to %scan3A_13 step %scan3A_14  : i32 {
      %mul3A_532 = arith.constant 16 : i32
      %mul3A_533 = arith.muli %scan3A_531, %mul3A_532 : i32
      %add3A_534 = arith.constant 0 : i32
      %add3A_535 = arith.addi %add3A_534, %mul3A_533 : i32
      %swap3A_536 = arith.index_cast %add3A_535 : i32 to index
      %swap3A_537 = tpu.vector_load %arg13[%swap3A_536] {strides = array<i32>} : memref<1280xf32, #tpu.memory_space<vmem>>, vector<16xf32>,
      tpu.vector_store %arg13[%swap3A_536], %broadcast_in_dim3A_4 {strides = array<i32>} : memref<1280xf32, #tpu.memory_space<vmem>>, vector<16xf32>,
      %swap3A_538 = arith.index_cast %add3A_535 : i32 to index
      %swap3A_539 = tpu.vector_load %arg14[%swap3A_538] {strides = array<i32>} : memref<1280xf32, #tpu.memory_space<vmem>>, vector<16xf32>,
      tpu.vector_store %arg14[%swap3A_538], %broadcast_in_dim3A_4 {strides = array<i32>} : memref<1280xf32, #tpu.memory_space<vmem>>, vector<16xf32>,
    }
    %scan3A_15 = arith.constant 80 : i32
    "tpu.region"() ({
      %run_scoped3A = tpu.sem_alloc : memref<!tpu.dma_semaphore, #tpu.memory_space<semaphore_mem>>
      %dma_start3A_531 = tpu.memref_slice %arg3[%mul3A_6] : memref<65536xi32, #tpu.memory_space<hbm>> -> memref<2048xi32, #tpu.memory_space<hbm>>
      %dma_start3A_532 = tpu.memref_slice %arg3[%mul3A_6] : memref<65536xi32, #tpu.memory_space<hbm>> -> memref<2048xi32, #tpu.memory_space<hbm>>
      tpu.enqueue_dma source(%dma_start3A_532 : memref<2048xi32, #tpu.memory_space<hbm>>) target(%arg10 : memref<2048xi32, #tpu.memory_space<vmem>>) target_semaphore(%run_scoped3A : memref<!tpu.dma_semaphore, #tpu.memory_space<semaphore_mem>>)
      %dma_wait3A = tpu.memref_slice %arg3[%mul3A_6] : memref<65536xi32, #tpu.memory_space<hbm>> -> memref<2048xi32, #tpu.memory_space<hbm>>
      %dma_wait3A_533 = tpu.memref_slice %arg3[%mul3A_6] : memref<65536xi32, #tpu.memory_space<hbm>> -> memref<2048xi32, #tpu.memory_space<hbm>>
      tpu.wait_dma2 semaphore(%run_scoped3A : memref<!tpu.dma_semaphore, #tpu.memory_space<semaphore_mem>>) src(%dma_wait3A_533 : memref<2048xi32, #tpu.memory_space<hbm>>) dst(%arg10 : memref<2048xi32, #tpu.memory_space<vmem>>)
      tpu.yield
    }) : () -> ()
    "tpu.region"() ({
      %run_scoped3A = tpu.sem_alloc : memref<!tpu.dma_semaphore, #tpu.memory_space<semaphore_mem>>
      %dma_start3A_531 = tpu.memref_slice %arg4[%mul3A_6] : memref<65536xf32, #tpu.memory_space<hbm>> -> memref<2048xf32, #tpu.memory_space<hbm>>
      %dma_start3A_532 = tpu.memref_slice %arg4[%mul3A_6] : memref<65536xf32, #tpu.memory_space<hbm>> -> memref<2048xf32, #tpu.memory_space<hbm>>
      tpu.enqueue_dma source(%dma_start3A_532 : memref<2048xf32, #tpu.memory_space<hbm>>) target(%arg11 : memref<2048xf32, #tpu.memory_space<vmem>>) target_semaphore(%run_scoped3A : memref<!tpu.dma_semaphore, #tpu.memory_space<semaphore_mem>>)
      %dma_wait3A = tpu.memref_slice %arg4[%mul3A_6] : memref<65536xf32, #tpu.memory_space<hbm>> -> memref<2048xf32, #tpu.memory_space<hbm>>
      %dma_wait3A_533 = tpu.memref_slice %arg4[%mul3A_6] : memref<65536xf32, #tpu.memory_space<hbm>> -> memref<2048xf32, #tpu.memory_space<hbm>>
      tpu.wait_dma2 semaphore(%run_scoped3A : memref<!tpu.dma_semaphore, #tpu.memory_space<semaphore_mem>>) src(%dma_wait3A_533 : memref<2048xf32, #tpu.memory_space<hbm>>) dst(%arg11 : memref<2048xf32, #tpu.memory_space<vmem>>)
      tpu.yield
    }) : () -> ()
    %scan3A_16 = arith.constant 0 : i32
    %scan3A_17 = arith.constant 128 : i32
    %scan3A_18 = arith.addi %scan3A_16, %scan3A_17 : i32
    %scan3A_19 = arith.constant 1 : i32
    scf.for %scan3A_531 = %scan3A_16 to %scan3A_18 step %scan3A_19  : i32 {
      %mul3A_532 = arith.constant 16 : i32
      %mul3A_533 = arith.muli %scan3A_531, %mul3A_532 : i32
      %add3A_534 = arith.constant 0 : i32
      %add3A_535 = arith.addi %add3A_534, %mul3A_533 : i32
      %get3A_536 = arith.index_cast %add3A_535 : i32 to index
      %get3A_537 = tpu.vector_load %arg10[%get3A_536] {strides = array<i32>} : memref<2048xi32, #tpu.memory_space<vmem>>, vector<16xi32>,
      %get3A_538 = arith.index_cast %add3A_535 : i32 to index
      %get3A_539 = tpu.vector_load %arg11[%get3A_538] {strides = array<i32>} : memref<2048xf32, #tpu.memory_space<vmem>>, vector<16xf32>,
      %ge3A = arith.constant 0.000000e+00 : f32
      %ge3A_540 = vector.broadcast %ge3A : f32 to vector<16xf32>
      %ge3A_541 = arith.cmpf oge, %get3A_539, %ge3A_540 : vector<16xf32>
      %jit3A = arith.constant 1.000000e+00 : f32
      %jit3A_542 = arith.constant 0.000000e+00 : f32
      %broadcast_in_dim3A_543 = vector.broadcast %jit3A : f32 to vector<16xf32>
      %broadcast_in_dim3A_544 = vector.broadcast %jit3A_542 : f32 to vector<16xf32>
      %select_n3A = arith.select %ge3A_541, %broadcast_in_dim3A_543, %broadcast_in_dim3A_544 : vector<16xi1>, vector<16xf32>
      %eq3A = arith.constant 2.000000e+00 : f32
      %eq3A_545 = vector.broadcast %eq3A : f32 to vector<16xf32>
      %eq3A_546 = arith.cmpf oeq, %get3A_539, %eq3A_545 : vector<16xf32>
      %and3A = arith.andi %ge3A_541, %eq3A_546 : vector<16xi1>
      %jit3A_547 = arith.constant 1.000000e+00 : f32
      %jit3A_548 = arith.constant 0.000000e+00 : f32
      %broadcast_in_dim3A_549 = vector.broadcast %jit3A_547 : f32 to vector<16xf32>
      %broadcast_in_dim3A_550 = vector.broadcast %jit3A_548 : f32 to vector<16xf32>
      %select_n3A_551 = arith.select %and3A, %broadcast_in_dim3A_549, %broadcast_in_dim3A_550 : vector<16xi1>, vector<16xf32>
      %add3A_552 = arith.addi %mul3A_3, %get3A_537 : vector<16xi32>
      tpu.vector_store_idx %arg13[%add3A_552], %select_n3A {add = true} : memref<1280xf32, #tpu.memory_space<vmem>>[vector<16xi32>], vector<16xf32>,
      %add3A_553 = arith.addi %mul3A_3, %get3A_537 : vector<16xi32>
      tpu.vector_store_idx %arg14[%add3A_553], %select_n3A_551 {add = true} : memref<1280xf32, #tpu.memory_space<vmem>>[vector<16xi32>], vector<16xf32>,
    }
    %scan3A_20 = arith.constant 128 : i32
    %add3A_21 = arith.constant 0 : i32
    %add3A_22 = arith.addi %mul3A_6, %add3A_21 : i32
    %mul3A_23 = arith.constant 128 : i32
    %mul3A_24 = arith.muli %add3A_22, %mul3A_23 : i32
    %dma_start3A = tpu.memref_slice %arg2[%mul3A_24] : memref<8388608xf32, #tpu.memory_space<hbm>> -> memref<32768xf32, #tpu.memory_space<hbm>>
    %dma_start3A_25 = tpu.memref_slice %arg2[%mul3A_24] : memref<8388608xf32, #tpu.memory_space<hbm>> -> memref<32768xf32, #tpu.memory_space<hbm>>
    tpu.enqueue_dma source(%dma_start3A_25 : memref<32768xf32, #tpu.memory_space<hbm>>) target(%arg8 : memref<32768xf32, #tpu.memory_space<vmem>>) target_semaphore(%arg17 : memref<!tpu.dma_semaphore, #tpu.memory_space<semaphore_mem>>)
    %scan3A_26 = arith.constant 0 : i32
    %scan3A_27 = arith.constant 4 : i32
    %scan3A_28 = arith.addi %scan3A_26, %scan3A_27 : i32
    %scan3A_29 = arith.constant 1 : i32
    scf.for %scan3A_531 = %scan3A_26 to %scan3A_28 step %scan3A_29  : i32 {
      %mul3A_532 = arith.constant 1 : i32
      %mul3A_533 = arith.muli %scan3A_531, %mul3A_532 : i32
      %add3A_534 = arith.constant 0 : i32
      %add3A_535 = arith.addi %add3A_534, %mul3A_533 : i32
      %mul3A_536 = arith.constant 2 : i32
      %mul3A_537 = arith.muli %add3A_535, %mul3A_536 : i32
      %mul3A_538 = arith.constant 256 : i32
      %mul3A_539 = arith.muli %mul3A_537, %mul3A_538 : i32
      %add3A_540 = arith.addi %mul3A_6, %mul3A_539 : i32
      %mul3A_541 = arith.constant 128 : i32
      %mul3A_542 = arith.muli %add3A_540, %mul3A_541 : i32
      %dma_wait3A = tpu.memref_slice %arg2[%mul3A_542] : memref<8388608xf32, #tpu.memory_space<hbm>> -> memref<32768xf32, #tpu.memory_space<hbm>>
      %dma_wait3A_543 = tpu.memref_slice %arg2[%mul3A_542] : memref<8388608xf32, #tpu.memory_space<hbm>> -> memref<32768xf32, #tpu.memory_space<hbm>>
      tpu.wait_dma2 semaphore(%arg17 : memref<!tpu.dma_semaphore, #tpu.memory_space<semaphore_mem>>) src(%dma_wait3A_543 : memref<32768xf32, #tpu.memory_space<hbm>>) dst(%arg8 : memref<32768xf32, #tpu.memory_space<vmem>>)
      %add3A_544 = arith.constant 1 : i32
      %add3A_545 = arith.addi %mul3A_537, %add3A_544 : i32
      %mul3A_546 = arith.constant 256 : i32
      %mul3A_547 = arith.muli %add3A_545, %mul3A_546 : i32
      %add3A_548 = arith.addi %mul3A_6, %mul3A_547 : i32
      %mul3A_549 = arith.constant 128 : i32
      %mul3A_550 = arith.muli %add3A_548, %mul3A_549 : i32
      %dma_start3A_551 = tpu.memref_slice %arg2[%mul3A_550] : memref<8388608xf32, #tpu.memory_space<hbm>> -> memref<32768xf32, #tpu.memory_space<hbm>>
      %dma_start3A_552 = tpu.memref_slice %arg2[%mul3A_550] : memref<8388608xf32, #tpu.memory_space<hbm>> -> memref<32768xf32, #tpu.memory_space<hbm>>
      tpu.enqueue_dma source(%dma_start3A_552 : memref<32768xf32, #tpu.memory_space<hbm>>) target(%arg9 : memref<32768xf32, #tpu.memory_space<vmem>>) target_semaphore(%arg18 : memref<!tpu.dma_semaphore, #tpu.memory_space<semaphore_mem>>)
      %mul3A_553 = arith.constant 256 : i32
      %mul3A_554 = arith.muli %mul3A_537, %mul3A_553 : i32
      %scan3A_555 = arith.constant 0 : i32
      %scan3A_556 = arith.constant 8 : i32
      %scan3A_557 = arith.addi %scan3A_555, %scan3A_556 : i32
      %scan3A_558 = arith.constant 1 : i32
      scf.for %scan3A_580 = %scan3A_555 to %scan3A_557 step %scan3A_558  : i32 {
        %mul3A_581 = arith.constant 32 : i32
        %mul3A_582 = arith.muli %scan3A_580, %mul3A_581 : i32
        %add3A_583 = arith.constant 0 : i32
        %add3A_584 = arith.addi %add3A_583, %mul3A_582 : i32
        %add3A_585 = arith.addi %mul3A_554, %add3A_584 : i32
        %get3A_586 = arith.index_cast %add3A_585 : i32 to index
        %get3A_587 = tpu.vector_load %arg10[%get3A_586] {strides = array<i32>} : memref<2048xi32, #tpu.memory_space<vmem>>, vector<16xi32>,
        %add3A_588 = arith.addi %mul3A_554, %add3A_584 : i32
        %get3A_589 = arith.index_cast %add3A_588 : i32 to index
        %get3A_590 = tpu.vector_load %arg11[%get3A_589] {strides = array<i32>} : memref<2048xf32, #tpu.memory_space<vmem>>, vector<16xf32>,
        %add3A_591 = arith.addi %mul3A_554, %add3A_584 : i32
        %add3A_592 = arith.constant 16 : i32
        %add3A_593 = arith.addi %add3A_591, %add3A_592 : i32
        %get3A_594 = arith.index_cast %add3A_593 : i32 to index
        %get3A_595 = tpu.vector_load %arg10[%get3A_594] {strides = array<i32>} : memref<2048xi32, #tpu.memory_space<vmem>>, vector<16xi32>,
        %add3A_596 = arith.addi %mul3A_554, %add3A_584 : i32
        %add3A_597 = arith.constant 16 : i32
        %add3A_598 = arith.addi %add3A_596, %add3A_597 : i32
        %get3A_599 = arith.index_cast %add3A_598 : i32 to index
        %get3A_600 = tpu.vector_load %arg11[%get3A_599] {strides = array<i32>} : memref<2048xf32, #tpu.memory_space<vmem>>, vector<16xf32>,
        %ge3A = arith.constant 0.000000e+00 : f32
        %ge3A_601 = vector.broadcast %ge3A : f32 to vector<16xf32>
        %ge3A_602 = arith.cmpf oge, %get3A_590, %ge3A_601 : vector<16xf32>
        %ge3A_603 = arith.constant 0.000000e+00 : f32
        %ge3A_604 = vector.broadcast %ge3A_603 : f32 to vector<16xf32>
        %ge3A_605 = arith.cmpf oge, %get3A_600, %ge3A_604 : vector<16xf32>
        %add3A_606 = vector.broadcast %add3A_584 : i32 to vector<16xi32>
        %add3A_607 = arith.addi %add3A_606, %iota3A : vector<16xi32>
        %mul3A_608 = arith.constant 128 : i32
        %mul3A_609 = vector.broadcast %mul3A_608 : i32 to vector<16xi32>
        %mul3A_610 = arith.muli %add3A_607, %mul3A_609 : vector<16xi32>
        %add3A_611 = arith.constant 2048 : i32
        %add3A_612 = vector.broadcast %add3A_611 : i32 to vector<16xi32>
        %add3A_613 = arith.addi %mul3A_610, %add3A_612 : vector<16xi32>
        %mul3A_614 = arith.constant 128 : i32
        %mul3A_615 = vector.broadcast %mul3A_614 : i32 to vector<16xi32>
        %mul3A_616 = arith.muli %get3A_587, %mul3A_615 : vector<16xi32>
        %mul3A_617 = arith.constant 128 : i32
        %mul3A_618 = vector.broadcast %mul3A_617 : i32 to vector<16xi32>
        %mul3A_619 = arith.muli %get3A_595, %mul3A_618 : vector<16xi32>
        %parallel_loop3A = arith.constant 0 : i32
        %parallel_loop3A_620 = arith.constant 128 : i32
        %parallel_loop3A_621 = arith.constant 1 : i32
        %parallel_loop3A_622 = scf.for %parallel_loop3A_623 = %parallel_loop3A to %parallel_loop3A_620 step %parallel_loop3A_621 iter_args(%parallel_loop3A_624 = %iota3A) -> (vector<16xi32>)  : i32 {
          %parallel_loop3A_625 = arith.addi %mul3A_610, %parallel_loop3A_624 : vector<16xi32>
          %parallel_loop3A_626 = tpu.vector_load_idx %arg8[%parallel_loop3A_625] : memref<32768xf32, #tpu.memory_space<vmem>>[vector<16xi32>], vector<16xf32>,
          %parallel_loop3A_627 = arith.addi %mul3A_616, %parallel_loop3A_624 : vector<16xi32>
          tpu.vector_store_idx %arg12[%parallel_loop3A_627], %parallel_loop3A_626 masked %ge3A_602 {add = true} : memref<10240xf32, #tpu.memory_space<vmem>>[vector<16xi32>], vector<16xf32>, vector<16xi1>
          %parallel_loop3A_628 = arith.addi %add3A_613, %parallel_loop3A_624 : vector<16xi32>
          %parallel_loop3A_629 = tpu.vector_load_idx %arg8[%parallel_loop3A_628] : memref<32768xf32, #tpu.memory_space<vmem>>[vector<16xi32>], vector<16xf32>,
          %parallel_loop3A_630 = arith.addi %mul3A_619, %parallel_loop3A_624 : vector<16xi32>
          tpu.vector_store_idx %arg12[%parallel_loop3A_630], %parallel_loop3A_629 masked %ge3A_605 {add = true} : memref<10240xf32, #tpu.memory_space<vmem>>[vector<16xi32>], vector<16xf32>, vector<16xi1>
          %parallel_loop3A_631 = arith.constant 1 : i32
          %parallel_loop3A_632 = vector.broadcast %parallel_loop3A_631 : i32 to vector<16xi32>
          %parallel_loop3A_633 = arith.addi %parallel_loop3A_624, %parallel_loop3A_632 : vector<16xi32>
          %parallel_loop3A_634 = arith.constant 127 : i32
          %parallel_loop3A_635 = vector.broadcast %parallel_loop3A_634 : i32 to vector<16xi32>
          %parallel_loop3A_636 = arith.andi %parallel_loop3A_633, %parallel_loop3A_635 : vector<16xi32>
          scf.yield %parallel_loop3A_636 : vector<16xi32>
        } {sc.loop_unroll_factor = 4 : i64, sc.parallel_access}
      }
      %scan3A_559 = arith.constant 8 : i32
      %add3A_560 = arith.constant 1 : i32
      %add3A_561 = arith.addi %mul3A_537, %add3A_560 : i32
      %mul3A_562 = arith.constant 256 : i32
      %mul3A_563 = arith.muli %add3A_561, %mul3A_562 : i32
      %add3A_564 = arith.addi %mul3A_6, %mul3A_563 : i32
      %mul3A_565 = arith.constant 128 : i32
      %mul3A_566 = arith.muli %add3A_564, %mul3A_565 : i32
      %dma_wait3A_567 = tpu.memref_slice %arg2[%mul3A_566] : memref<8388608xf32, #tpu.memory_space<hbm>> -> memref<32768xf32, #tpu.memory_space<hbm>>
      %dma_wait3A_568 = tpu.memref_slice %arg2[%mul3A_566] : memref<8388608xf32, #tpu.memory_space<hbm>> -> memref<32768xf32, #tpu.memory_space<hbm>>
      tpu.wait_dma2 semaphore(%arg18 : memref<!tpu.dma_semaphore, #tpu.memory_space<semaphore_mem>>) src(%dma_wait3A_568 : memref<32768xf32, #tpu.memory_space<hbm>>) dst(%arg9 : memref<32768xf32, #tpu.memory_space<vmem>>)
      %lt3A = arith.constant 3 : i32
      %lt3A_569 = arith.cmpi slt, %add3A_535, %lt3A : i32
      %convert_element_type3A = arith.extui %lt3A_569 : i1 to i32
      %cond3A = arith.constant 0 : i32
      %cond3A_570 = arith.cmpi ne, %convert_element_type3A, %cond3A : i32
      scf.if %cond3A_570 {
        %add3A_580 = arith.constant 2 : i32
        %add3A_581 = arith.addi %mul3A_537, %add3A_580 : i32
        %mul3A_582 = arith.constant 256 : i32
        %mul3A_583 = arith.muli %add3A_581, %mul3A_582 : i32
        %add3A_584 = arith.addi %mul3A_6, %mul3A_583 : i32
        %mul3A_585 = arith.constant 128 : i32
        %mul3A_586 = arith.muli %add3A_584, %mul3A_585 : i32
        %dma_start3A_587 = tpu.memref_slice %arg2[%mul3A_586] : memref<8388608xf32, #tpu.memory_space<hbm>> -> memref<32768xf32, #tpu.memory_space<hbm>>
        %dma_start3A_588 = tpu.memref_slice %arg2[%mul3A_586] : memref<8388608xf32, #tpu.memory_space<hbm>> -> memref<32768xf32, #tpu.memory_space<hbm>>
        tpu.enqueue_dma source(%dma_start3A_588 : memref<32768xf32, #tpu.memory_space<hbm>>) target(%arg8 : memref<32768xf32, #tpu.memory_space<vmem>>) target_semaphore(%arg17 : memref<!tpu.dma_semaphore, #tpu.memory_space<semaphore_mem>>)
      } else {
      }
      %add3A_571 = arith.constant 1 : i32
      %add3A_572 = arith.addi %mul3A_537, %add3A_571 : i32
      %mul3A_573 = arith.constant 256 : i32
      %mul3A_574 = arith.muli %add3A_572, %mul3A_573 : i32
      %scan3A_575 = arith.constant 0 : i32
      %scan3A_576 = arith.constant 8 : i32
      %scan3A_577 = arith.addi %scan3A_575, %scan3A_576 : i32
      %scan3A_578 = arith.constant 1 : i32
      scf.for %scan3A_580 = %scan3A_575 to %scan3A_577 step %scan3A_578  : i32 {
        %mul3A_581 = arith.constant 32 : i32
        %mul3A_582 = arith.muli %scan3A_580, %mul3A_581 : i32
        %add3A_583 = arith.constant 0 : i32
        %add3A_584 = arith.addi %add3A_583, %mul3A_582 : i32
        %add3A_585 = arith.addi %mul3A_574, %add3A_584 : i32
        %get3A_586 = arith.index_cast %add3A_585 : i32 to index
        %get3A_587 = tpu.vector_load %arg10[%get3A_586] {strides = array<i32>} : memref<2048xi32, #tpu.memory_space<vmem>>, vector<16xi32>,
        %add3A_588 = arith.addi %mul3A_574, %add3A_584 : i32
        %get3A_589 = arith.index_cast %add3A_588 : i32 to index
        %get3A_590 = tpu.vector_load %arg11[%get3A_589] {strides = array<i32>} : memref<2048xf32, #tpu.memory_space<vmem>>, vector<16xf32>,
        %add3A_591 = arith.addi %mul3A_574, %add3A_584 : i32
        %add3A_592 = arith.constant 16 : i32
        %add3A_593 = arith.addi %add3A_591, %add3A_592 : i32
        %get3A_594 = arith.index_cast %add3A_593 : i32 to index
        %get3A_595 = tpu.vector_load %arg10[%get3A_594] {strides = array<i32>} : memref<2048xi32, #tpu.memory_space<vmem>>, vector<16xi32>,
        %add3A_596 = arith.addi %mul3A_574, %add3A_584 : i32
        %add3A_597 = arith.constant 16 : i32
        %add3A_598 = arith.addi %add3A_596, %add3A_597 : i32
        %get3A_599 = arith.index_cast %add3A_598 : i32 to index
        %get3A_600 = tpu.vector_load %arg11[%get3A_599] {strides = array<i32>} : memref<2048xf32, #tpu.memory_space<vmem>>, vector<16xf32>,
        %ge3A = arith.constant 0.000000e+00 : f32
        %ge3A_601 = vector.broadcast %ge3A : f32 to vector<16xf32>
        %ge3A_602 = arith.cmpf oge, %get3A_590, %ge3A_601 : vector<16xf32>
        %ge3A_603 = arith.constant 0.000000e+00 : f32
        %ge3A_604 = vector.broadcast %ge3A_603 : f32 to vector<16xf32>
        %ge3A_605 = arith.cmpf oge, %get3A_600, %ge3A_604 : vector<16xf32>
        %add3A_606 = vector.broadcast %add3A_584 : i32 to vector<16xi32>
        %add3A_607 = arith.addi %add3A_606, %iota3A : vector<16xi32>
        %mul3A_608 = arith.constant 128 : i32
        %mul3A_609 = vector.broadcast %mul3A_608 : i32 to vector<16xi32>
        %mul3A_610 = arith.muli %add3A_607, %mul3A_609 : vector<16xi32>
        %add3A_611 = arith.constant 2048 : i32
        %add3A_612 = vector.broadcast %add3A_611 : i32 to vector<16xi32>
        %add3A_613 = arith.addi %mul3A_610, %add3A_612 : vector<16xi32>
        %mul3A_614 = arith.constant 128 : i32
        %mul3A_615 = vector.broadcast %mul3A_614 : i32 to vector<16xi32>
        %mul3A_616 = arith.muli %get3A_587, %mul3A_615 : vector<16xi32>
        %mul3A_617 = arith.constant 128 : i32
        %mul3A_618 = vector.broadcast %mul3A_617 : i32 to vector<16xi32>
        %mul3A_619 = arith.muli %get3A_595, %mul3A_618 : vector<16xi32>
        %parallel_loop3A = arith.constant 0 : i32
        %parallel_loop3A_620 = arith.constant 128 : i32
        %parallel_loop3A_621 = arith.constant 1 : i32
        %parallel_loop3A_622 = scf.for %parallel_loop3A_623 = %parallel_loop3A to %parallel_loop3A_620 step %parallel_loop3A_621 iter_args(%parallel_loop3A_624 = %iota3A) -> (vector<16xi32>)  : i32 {
          %parallel_loop3A_625 = arith.addi %mul3A_610, %parallel_loop3A_624 : vector<16xi32>
          %parallel_loop3A_626 = tpu.vector_load_idx %arg9[%parallel_loop3A_625] : memref<32768xf32, #tpu.memory_space<vmem>>[vector<16xi32>], vector<16xf32>,
          %parallel_loop3A_627 = arith.addi %mul3A_616, %parallel_loop3A_624 : vector<16xi32>
          tpu.vector_store_idx %arg12[%parallel_loop3A_627], %parallel_loop3A_626 masked %ge3A_602 {add = true} : memref<10240xf32, #tpu.memory_space<vmem>>[vector<16xi32>], vector<16xf32>, vector<16xi1>
          %parallel_loop3A_628 = arith.addi %add3A_613, %parallel_loop3A_624 : vector<16xi32>
          %parallel_loop3A_629 = tpu.vector_load_idx %arg9[%parallel_loop3A_628] : memref<32768xf32, #tpu.memory_space<vmem>>[vector<16xi32>], vector<16xf32>,
          %parallel_loop3A_630 = arith.addi %mul3A_619, %parallel_loop3A_624 : vector<16xi32>
          tpu.vector_store_idx %arg12[%parallel_loop3A_630], %parallel_loop3A_629 masked %ge3A_605 {add = true} : memref<10240xf32, #tpu.memory_space<vmem>>[vector<16xi32>], vector<16xf32>, vector<16xi1>
          %parallel_loop3A_631 = arith.constant 1 : i32
          %parallel_loop3A_632 = vector.broadcast %parallel_loop3A_631 : i32 to vector<16xi32>
          %parallel_loop3A_633 = arith.addi %parallel_loop3A_624, %parallel_loop3A_632 : vector<16xi32>
          %parallel_loop3A_634 = arith.constant 127 : i32
          %parallel_loop3A_635 = vector.broadcast %parallel_loop3A_634 : i32 to vector<16xi32>
          %parallel_loop3A_636 = arith.andi %parallel_loop3A_633, %parallel_loop3A_635 : vector<16xi32>
          scf.yield %parallel_loop3A_636 : vector<16xi32>
        } {sc.loop_unroll_factor = 4 : i64, sc.parallel_access}
      }
      %scan3A_579 = arith.constant 8 : i32
    }
    %scan3A_30 = arith.constant 4 : i32
    %get3A = arith.constant 0 : index
    %get3A_31 = tpu.vector_load %arg13[%get3A] {strides = array<i32>} : memref<1280xf32, #tpu.memory_space<vmem>>, vector<16xf32>,
    %add3A_32 = arith.addf %broadcast_in_dim3A_4, %get3A_31 : vector<16xf32>
    %get3A_33 = arith.constant 0 : index
    %get3A_34 = tpu.vector_load %arg14[%get3A_33] {strides = array<i32>} : memref<1280xf32, #tpu.memory_space<vmem>>, vector<16xf32>,
    %add3A_35 = arith.addf %broadcast_in_dim3A_4, %get3A_34 : vector<16xf32>
    %get3A_36 = arith.constant 80 : index
    %get3A_37 = tpu.vector_load %arg13[%get3A_36] {strides = array<i32>} : memref<1280xf32, #tpu.memory_space<vmem>>, vector<16xf32>,
    %add3A_38 = arith.addf %add3A_32, %get3A_37 : vector<16xf32>
    %get3A_39 = arith.constant 80 : index
    %get3A_40 = tpu.vector_load %arg14[%get3A_39] {strides = array<i32>} : memref<1280xf32, #tpu.memory_space<vmem>>, vector<16xf32>,
    %add3A_41 = arith.addf %add3A_35, %get3A_40 : vector<16xf32>
    %get3A_42 = arith.constant 160 : index
    %get3A_43 = tpu.vector_load %arg13[%get3A_42] {strides = array<i32>} : memref<1280xf32, #tpu.memory_space<vmem>>, vector<16xf32>,
    %add3A_44 = arith.addf %add3A_38, %get3A_43 : vector<16xf32>
    %get3A_45 = arith.constant 160 : index
    %get3A_46 = tpu.vector_load %arg14[%get3A_45] {strides = array<i32>} : memref<1280xf32, #tpu.memory_space<vmem>>, vector<16xf32>,
    %add3A_47 = arith.addf %add3A_41, %get3A_46 : vector<16xf32>
    %get3A_48 = arith.constant 240 : index
    %get3A_49 = tpu.vector_load %arg13[%get3A_48] {strides = array<i32>} : memref<1280xf32, #tpu.memory_space<vmem>>, vector<16xf32>,
    %add3A_50 = arith.addf %add3A_44, %get3A_49 : vector<16xf32>
    %get3A_51 = arith.constant 240 : index
    %get3A_52 = tpu.vector_load %arg14[%get3A_51] {strides = array<i32>} : memref<1280xf32, #tpu.memory_space<vmem>>, vector<16xf32>,
    %add3A_53 = arith.addf %add3A_47, %get3A_52 : vector<16xf32>
    %get3A_54 = arith.constant 320 : index
    %get3A_55 = tpu.vector_load %arg13[%get3A_54] {strides = array<i32>} : memref<1280xf32, #tpu.memory_space<vmem>>, vector<16xf32>,
    %add3A_56 = arith.addf %add3A_50, %get3A_55 : vector<16xf32>
    %get3A_57 = arith.constant 320 : index
    %get3A_58 = tpu.vector_load %arg14[%get3A_57] {strides = array<i32>} : memref<1280xf32, #tpu.memory_space<vmem>>, vector<16xf32>,
    %add3A_59 = arith.addf %add3A_53, %get3A_58 : vector<16xf32>
    %get3A_60 = arith.constant 400 : index
    %get3A_61 = tpu.vector_load %arg13[%get3A_60] {strides = array<i32>} : memref<1280xf32, #tpu.memory_space<vmem>>, vector<16xf32>,
    %add3A_62 = arith.addf %add3A_56, %get3A_61 : vector<16xf32>
    %get3A_63 = arith.constant 400 : index
    %get3A_64 = tpu.vector_load %arg14[%get3A_63] {strides = array<i32>} : memref<1280xf32, #tpu.memory_space<vmem>>, vector<16xf32>,
    %add3A_65 = arith.addf %add3A_59, %get3A_64 : vector<16xf32>
    %get3A_66 = arith.constant 480 : index
    %get3A_67 = tpu.vector_load %arg13[%get3A_66] {strides = array<i32>} : memref<1280xf32, #tpu.memory_space<vmem>>, vector<16xf32>,
    %add3A_68 = arith.addf %add3A_62, %get3A_67 : vector<16xf32>
    %get3A_69 = arith.constant 480 : index
    %get3A_70 = tpu.vector_load %arg14[%get3A_69] {strides = array<i32>} : memref<1280xf32, #tpu.memory_space<vmem>>, vector<16xf32>,
    %add3A_71 = arith.addf %add3A_65, %get3A_70 : vector<16xf32>
    %get3A_72 = arith.constant 560 : index
    %get3A_73 = tpu.vector_load %arg13[%get3A_72] {strides = array<i32>} : memref<1280xf32, #tpu.memory_space<vmem>>, vector<16xf32>,
    %add3A_74 = arith.addf %add3A_68, %get3A_73 : vector<16xf32>
    %get3A_75 = arith.constant 560 : index
    %get3A_76 = tpu.vector_load %arg14[%get3A_75] {strides = array<i32>} : memref<1280xf32, #tpu.memory_space<vmem>>, vector<16xf32>,
    %add3A_77 = arith.addf %add3A_71, %get3A_76 : vector<16xf32>
    %get3A_78 = arith.constant 640 : index
    %get3A_79 = tpu.vector_load %arg13[%get3A_78] {strides = array<i32>} : memref<1280xf32, #tpu.memory_space<vmem>>, vector<16xf32>,
    %add3A_80 = arith.addf %add3A_74, %get3A_79 : vector<16xf32>
    %get3A_81 = arith.constant 640 : index
    %get3A_82 = tpu.vector_load %arg14[%get3A_81] {strides = array<i32>} : memref<1280xf32, #tpu.memory_space<vmem>>, vector<16xf32>,
    %add3A_83 = arith.addf %add3A_77, %get3A_82 : vector<16xf32>
    %get3A_84 = arith.constant 720 : index
    %get3A_85 = tpu.vector_load %arg13[%get3A_84] {strides = array<i32>} : memref<1280xf32, #tpu.memory_space<vmem>>, vector<16xf32>,
    %add3A_86 = arith.addf %add3A_80, %get3A_85 : vector<16xf32>
    %get3A_87 = arith.constant 720 : index
    %get3A_88 = tpu.vector_load %arg14[%get3A_87] {strides = array<i32>} : memref<1280xf32, #tpu.memory_space<vmem>>, vector<16xf32>,
    %add3A_89 = arith.addf %add3A_83, %get3A_88 : vector<16xf32>
    %get3A_90 = arith.constant 800 : index
    %get3A_91 = tpu.vector_load %arg13[%get3A_90] {strides = array<i32>} : memref<1280xf32, #tpu.memory_space<vmem>>, vector<16xf32>,
    %add3A_92 = arith.addf %add3A_86, %get3A_91 : vector<16xf32>
    %get3A_93 = arith.constant 800 : index
    %get3A_94 = tpu.vector_load %arg14[%get3A_93] {strides = array<i32>} : memref<1280xf32, #tpu.memory_space<vmem>>, vector<16xf32>,
    %add3A_95 = arith.addf %add3A_89, %get3A_94 : vector<16xf32>
    %get3A_96 = arith.constant 880 : index
    %get3A_97 = tpu.vector_load %arg13[%get3A_96] {strides = array<i32>} : memref<1280xf32, #tpu.memory_space<vmem>>, vector<16xf32>,
    %add3A_98 = arith.addf %add3A_92, %get3A_97 : vector<16xf32>
    %get3A_99 = arith.constant 880 : index
    %get3A_100 = tpu.vector_load %arg14[%get3A_99] {strides = array<i32>} : memref<1280xf32, #tpu.memory_space<vmem>>, vector<16xf32>,
    %add3A_101 = arith.addf %add3A_95, %get3A_100 : vector<16xf32>
    %get3A_102 = arith.constant 960 : index
    %get3A_103 = tpu.vector_load %arg13[%get3A_102] {strides = array<i32>} : memref<1280xf32, #tpu.memory_space<vmem>>, vector<16xf32>,
    %add3A_104 = arith.addf %add3A_98, %get3A_103 : vector<16xf32>
    %get3A_105 = arith.constant 960 : index
    %get3A_106 = tpu.vector_load %arg14[%get3A_105] {strides = array<i32>} : memref<1280xf32, #tpu.memory_space<vmem>>, vector<16xf32>,
    %add3A_107 = arith.addf %add3A_101, %get3A_106 : vector<16xf32>
    %get3A_108 = arith.constant 1040 : index
    %get3A_109 = tpu.vector_load %arg13[%get3A_108] {strides = array<i32>} : memref<1280xf32, #tpu.memory_space<vmem>>, vector<16xf32>,
    %add3A_110 = arith.addf %add3A_104, %get3A_109 : vector<16xf32>
    %get3A_111 = arith.constant 1040 : index
    %get3A_112 = tpu.vector_load %arg14[%get3A_111] {strides = array<i32>} : memref<1280xf32, #tpu.memory_space<vmem>>, vector<16xf32>,
    %add3A_113 = arith.addf %add3A_107, %get3A_112 : vector<16xf32>
    %get3A_114 = arith.constant 1120 : index
    %get3A_115 = tpu.vector_load %arg13[%get3A_114] {strides = array<i32>} : memref<1280xf32, #tpu.memory_space<vmem>>, vector<16xf32>,
    %add3A_116 = arith.addf %add3A_110, %get3A_115 : vector<16xf32>
    %get3A_117 = arith.constant 1120 : index
    %get3A_118 = tpu.vector_load %arg14[%get3A_117] {strides = array<i32>} : memref<1280xf32, #tpu.memory_space<vmem>>, vector<16xf32>,
    %add3A_119 = arith.addf %add3A_113, %get3A_118 : vector<16xf32>
    %get3A_120 = arith.constant 1200 : index
    %get3A_121 = tpu.vector_load %arg13[%get3A_120] {strides = array<i32>} : memref<1280xf32, #tpu.memory_space<vmem>>, vector<16xf32>,
    %add3A_122 = arith.addf %add3A_116, %get3A_121 : vector<16xf32>
    %get3A_123 = arith.constant 1200 : index
    %get3A_124 = tpu.vector_load %arg14[%get3A_123] {strides = array<i32>} : memref<1280xf32, #tpu.memory_space<vmem>>, vector<16xf32>,
    %add3A_125 = arith.addf %add3A_119, %get3A_124 : vector<16xf32>
    %swap3A = arith.constant 0 : index
    %swap3A_126 = tpu.vector_load %arg15[%swap3A] {strides = array<i32>} : memref<80xf32, #tpu.memory_space<vmem>>, vector<16xf32>,
    tpu.vector_store %arg15[%swap3A], %add3A_122 {strides = array<i32>} : memref<80xf32, #tpu.memory_space<vmem>>, vector<16xf32>,
    %swap3A_127 = arith.constant 0 : index
    %swap3A_128 = tpu.vector_load %arg16[%swap3A_127] {strides = array<i32>} : memref<80xf32, #tpu.memory_space<vmem>>, vector<16xf32>,
    tpu.vector_store %arg16[%swap3A_127], %add3A_125 {strides = array<i32>} : memref<80xf32, #tpu.memory_space<vmem>>, vector<16xf32>,
    %get3A_129 = arith.constant 16 : index
    %get3A_130 = tpu.vector_load %arg13[%get3A_129] {strides = array<i32>} : memref<1280xf32, #tpu.memory_space<vmem>>, vector<16xf32>,
    %add3A_131 = arith.addf %broadcast_in_dim3A_4, %get3A_130 : vector<16xf32>
    %get3A_132 = arith.constant 16 : index
    %get3A_133 = tpu.vector_load %arg14[%get3A_132] {strides = array<i32>} : memref<1280xf32, #tpu.memory_space<vmem>>, vector<16xf32>,
    %add3A_134 = arith.addf %broadcast_in_dim3A_4, %get3A_133 : vector<16xf32>
    %get3A_135 = arith.constant 96 : index
    %get3A_136 = tpu.vector_load %arg13[%get3A_135] {strides = array<i32>} : memref<1280xf32, #tpu.memory_space<vmem>>, vector<16xf32>,
    %add3A_137 = arith.addf %add3A_131, %get3A_136 : vector<16xf32>
    %get3A_138 = arith.constant 96 : index
    %get3A_139 = tpu.vector_load %arg14[%get3A_138] {strides = array<i32>} : memref<1280xf32, #tpu.memory_space<vmem>>, vector<16xf32>,
    %add3A_140 = arith.addf %add3A_134, %get3A_139 : vector<16xf32>
    %get3A_141 = arith.constant 176 : index
    %get3A_142 = tpu.vector_load %arg13[%get3A_141] {strides = array<i32>} : memref<1280xf32, #tpu.memory_space<vmem>>, vector<16xf32>,
    %add3A_143 = arith.addf %add3A_137, %get3A_142 : vector<16xf32>
    %get3A_144 = arith.constant 176 : index
    %get3A_145 = tpu.vector_load %arg14[%get3A_144] {strides = array<i32>} : memref<1280xf32, #tpu.memory_space<vmem>>, vector<16xf32>,
    %add3A_146 = arith.addf %add3A_140, %get3A_145 : vector<16xf32>
    %get3A_147 = arith.constant 256 : index
    %get3A_148 = tpu.vector_load %arg13[%get3A_147] {strides = array<i32>} : memref<1280xf32, #tpu.memory_space<vmem>>, vector<16xf32>,
    %add3A_149 = arith.addf %add3A_143, %get3A_148 : vector<16xf32>
    %get3A_150 = arith.constant 256 : index
    %get3A_151 = tpu.vector_load %arg14[%get3A_150] {strides = array<i32>} : memref<1280xf32, #tpu.memory_space<vmem>>, vector<16xf32>,
    %add3A_152 = arith.addf %add3A_146, %get3A_151 : vector<16xf32>
    %get3A_153 = arith.constant 336 : index
    %get3A_154 = tpu.vector_load %arg13[%get3A_153] {strides = array<i32>} : memref<1280xf32, #tpu.memory_space<vmem>>, vector<16xf32>,
    %add3A_155 = arith.addf %add3A_149, %get3A_154 : vector<16xf32>
    %get3A_156 = arith.constant 336 : index
    %get3A_157 = tpu.vector_load %arg14[%get3A_156] {strides = array<i32>} : memref<1280xf32, #tpu.memory_space<vmem>>, vector<16xf32>,
    %add3A_158 = arith.addf %add3A_152, %get3A_157 : vector<16xf32>
    %get3A_159 = arith.constant 416 : index
    %get3A_160 = tpu.vector_load %arg13[%get3A_159] {strides = array<i32>} : memref<1280xf32, #tpu.memory_space<vmem>>, vector<16xf32>,
    %add3A_161 = arith.addf %add3A_155, %get3A_160 : vector<16xf32>
    %get3A_162 = arith.constant 416 : index
    %get3A_163 = tpu.vector_load %arg14[%get3A_162] {strides = array<i32>} : memref<1280xf32, #tpu.memory_space<vmem>>, vector<16xf32>,
    %add3A_164 = arith.addf %add3A_158, %get3A_163 : vector<16xf32>
    %get3A_165 = arith.constant 496 : index
    %get3A_166 = tpu.vector_load %arg13[%get3A_165] {strides = array<i32>} : memref<1280xf32, #tpu.memory_space<vmem>>, vector<16xf32>,
    %add3A_167 = arith.addf %add3A_161, %get3A_166 : vector<16xf32>
    %get3A_168 = arith.constant 496 : index
    %get3A_169 = tpu.vector_load %arg14[%get3A_168] {strides = array<i32>} : memref<1280xf32, #tpu.memory_space<vmem>>, vector<16xf32>,
    %add3A_170 = arith.addf %add3A_164, %get3A_169 : vector<16xf32>
    %get3A_171 = arith.constant 576 : index
    %get3A_172 = tpu.vector_load %arg13[%get3A_171] {strides = array<i32>} : memref<1280xf32, #tpu.memory_space<vmem>>, vector<16xf32>,
    %add3A_173 = arith.addf %add3A_167, %get3A_172 : vector<16xf32>
    %get3A_174 = arith.constant 576 : index
    %get3A_175 = tpu.vector_load %arg14[%get3A_174] {strides = array<i32>} : memref<1280xf32, #tpu.memory_space<vmem>>, vector<16xf32>,
    %add3A_176 = arith.addf %add3A_170, %get3A_175 : vector<16xf32>
    %get3A_177 = arith.constant 656 : index
    %get3A_178 = tpu.vector_load %arg13[%get3A_177] {strides = array<i32>} : memref<1280xf32, #tpu.memory_space<vmem>>, vector<16xf32>,
    %add3A_179 = arith.addf %add3A_173, %get3A_178 : vector<16xf32>
    %get3A_180 = arith.constant 656 : index
    %get3A_181 = tpu.vector_load %arg14[%get3A_180] {strides = array<i32>} : memref<1280xf32, #tpu.memory_space<vmem>>, vector<16xf32>,
    %add3A_182 = arith.addf %add3A_176, %get3A_181 : vector<16xf32>
    %get3A_183 = arith.constant 736 : index
    %get3A_184 = tpu.vector_load %arg13[%get3A_183] {strides = array<i32>} : memref<1280xf32, #tpu.memory_space<vmem>>, vector<16xf32>,
    %add3A_185 = arith.addf %add3A_179, %get3A_184 : vector<16xf32>
    %get3A_186 = arith.constant 736 : index
    %get3A_187 = tpu.vector_load %arg14[%get3A_186] {strides = array<i32>} : memref<1280xf32, #tpu.memory_space<vmem>>, vector<16xf32>,
    %add3A_188 = arith.addf %add3A_182, %get3A_187 : vector<16xf32>
    %get3A_189 = arith.constant 816 : index
    %get3A_190 = tpu.vector_load %arg13[%get3A_189] {strides = array<i32>} : memref<1280xf32, #tpu.memory_space<vmem>>, vector<16xf32>,
    %add3A_191 = arith.addf %add3A_185, %get3A_190 : vector<16xf32>
    %get3A_192 = arith.constant 816 : index
    %get3A_193 = tpu.vector_load %arg14[%get3A_192] {strides = array<i32>} : memref<1280xf32, #tpu.memory_space<vmem>>, vector<16xf32>,
    %add3A_194 = arith.addf %add3A_188, %get3A_193 : vector<16xf32>
    %get3A_195 = arith.constant 896 : index
    %get3A_196 = tpu.vector_load %arg13[%get3A_195] {strides = array<i32>} : memref<1280xf32, #tpu.memory_space<vmem>>, vector<16xf32>,
    %add3A_197 = arith.addf %add3A_191, %get3A_196 : vector<16xf32>
    %get3A_198 = arith.constant 896 : index
    %get3A_199 = tpu.vector_load %arg14[%get3A_198] {strides = array<i32>} : memref<1280xf32, #tpu.memory_space<vmem>>, vector<16xf32>,
    %add3A_200 = arith.addf %add3A_194, %get3A_199 : vector<16xf32>
    %get3A_201 = arith.constant 976 : index
    %get3A_202 = tpu.vector_load %arg13[%get3A_201] {strides = array<i32>} : memref<1280xf32, #tpu.memory_space<vmem>>, vector<16xf32>,
    %add3A_203 = arith.addf %add3A_197, %get3A_202 : vector<16xf32>
    %get3A_204 = arith.constant 976 : index
    %get3A_205 = tpu.vector_load %arg14[%get3A_204] {strides = array<i32>} : memref<1280xf32, #tpu.memory_space<vmem>>, vector<16xf32>,
    %add3A_206 = arith.addf %add3A_200, %get3A_205 : vector<16xf32>
    %get3A_207 = arith.constant 1056 : index
    %get3A_208 = tpu.vector_load %arg13[%get3A_207] {strides = array<i32>} : memref<1280xf32, #tpu.memory_space<vmem>>, vector<16xf32>,
    %add3A_209 = arith.addf %add3A_203, %get3A_208 : vector<16xf32>
    %get3A_210 = arith.constant 1056 : index
    %get3A_211 = tpu.vector_load %arg14[%get3A_210] {strides = array<i32>} : memref<1280xf32, #tpu.memory_space<vmem>>, vector<16xf32>,
    %add3A_212 = arith.addf %add3A_206, %get3A_211 : vector<16xf32>
    %get3A_213 = arith.constant 1136 : index
    %get3A_214 = tpu.vector_load %arg13[%get3A_213] {strides = array<i32>} : memref<1280xf32, #tpu.memory_space<vmem>>, vector<16xf32>,
    %add3A_215 = arith.addf %add3A_209, %get3A_214 : vector<16xf32>
    %get3A_216 = arith.constant 1136 : index
    %get3A_217 = tpu.vector_load %arg14[%get3A_216] {strides = array<i32>} : memref<1280xf32, #tpu.memory_space<vmem>>, vector<16xf32>,
    %add3A_218 = arith.addf %add3A_212, %get3A_217 : vector<16xf32>
    %get3A_219 = arith.constant 1216 : index
    %get3A_220 = tpu.vector_load %arg13[%get3A_219] {strides = array<i32>} : memref<1280xf32, #tpu.memory_space<vmem>>, vector<16xf32>,
    %add3A_221 = arith.addf %add3A_215, %get3A_220 : vector<16xf32>
    %get3A_222 = arith.constant 1216 : index
    %get3A_223 = tpu.vector_load %arg14[%get3A_222] {strides = array<i32>} : memref<1280xf32, #tpu.memory_space<vmem>>, vector<16xf32>,
    %add3A_224 = arith.addf %add3A_218, %get3A_223 : vector<16xf32>
    %swap3A_225 = arith.constant 16 : index
    %swap3A_226 = tpu.vector_load %arg15[%swap3A_225] {strides = array<i32>} : memref<80xf32, #tpu.memory_space<vmem>>, vector<16xf32>,
    tpu.vector_store %arg15[%swap3A_225], %add3A_221 {strides = array<i32>} : memref<80xf32, #tpu.memory_space<vmem>>, vector<16xf32>,
    %swap3A_227 = arith.constant 16 : index
    %swap3A_228 = tpu.vector_load %arg16[%swap3A_227] {strides = array<i32>} : memref<80xf32, #tpu.memory_space<vmem>>, vector<16xf32>,
    tpu.vector_store %arg16[%swap3A_227], %add3A_224 {strides = array<i32>} : memref<80xf32, #tpu.memory_space<vmem>>, vector<16xf32>,
    %get3A_229 = arith.constant 32 : index
    %get3A_230 = tpu.vector_load %arg13[%get3A_229] {strides = array<i32>} : memref<1280xf32, #tpu.memory_space<vmem>>, vector<16xf32>,
    %add3A_231 = arith.addf %broadcast_in_dim3A_4, %get3A_230 : vector<16xf32>
    %get3A_232 = arith.constant 32 : index
    %get3A_233 = tpu.vector_load %arg14[%get3A_232] {strides = array<i32>} : memref<1280xf32, #tpu.memory_space<vmem>>, vector<16xf32>,
    %add3A_234 = arith.addf %broadcast_in_dim3A_4, %get3A_233 : vector<16xf32>
    %get3A_235 = arith.constant 112 : index
    %get3A_236 = tpu.vector_load %arg13[%get3A_235] {strides = array<i32>} : memref<1280xf32, #tpu.memory_space<vmem>>, vector<16xf32>,
    %add3A_237 = arith.addf %add3A_231, %get3A_236 : vector<16xf32>
    %get3A_238 = arith.constant 112 : index
    %get3A_239 = tpu.vector_load %arg14[%get3A_238] {strides = array<i32>} : memref<1280xf32, #tpu.memory_space<vmem>>, vector<16xf32>,
    %add3A_240 = arith.addf %add3A_234, %get3A_239 : vector<16xf32>
    %get3A_241 = arith.constant 192 : index
    %get3A_242 = tpu.vector_load %arg13[%get3A_241] {strides = array<i32>} : memref<1280xf32, #tpu.memory_space<vmem>>, vector<16xf32>,
    %add3A_243 = arith.addf %add3A_237, %get3A_242 : vector<16xf32>
    %get3A_244 = arith.constant 192 : index
    %get3A_245 = tpu.vector_load %arg14[%get3A_244] {strides = array<i32>} : memref<1280xf32, #tpu.memory_space<vmem>>, vector<16xf32>,
    %add3A_246 = arith.addf %add3A_240, %get3A_245 : vector<16xf32>
    %get3A_247 = arith.constant 272 : index
    %get3A_248 = tpu.vector_load %arg13[%get3A_247] {strides = array<i32>} : memref<1280xf32, #tpu.memory_space<vmem>>, vector<16xf32>,
    %add3A_249 = arith.addf %add3A_243, %get3A_248 : vector<16xf32>
    %get3A_250 = arith.constant 272 : index
    %get3A_251 = tpu.vector_load %arg14[%get3A_250] {strides = array<i32>} : memref<1280xf32, #tpu.memory_space<vmem>>, vector<16xf32>,
    %add3A_252 = arith.addf %add3A_246, %get3A_251 : vector<16xf32>
    %get3A_253 = arith.constant 352 : index
    %get3A_254 = tpu.vector_load %arg13[%get3A_253] {strides = array<i32>} : memref<1280xf32, #tpu.memory_space<vmem>>, vector<16xf32>,
    %add3A_255 = arith.addf %add3A_249, %get3A_254 : vector<16xf32>
    %get3A_256 = arith.constant 352 : index
    %get3A_257 = tpu.vector_load %arg14[%get3A_256] {strides = array<i32>} : memref<1280xf32, #tpu.memory_space<vmem>>, vector<16xf32>,
    %add3A_258 = arith.addf %add3A_252, %get3A_257 : vector<16xf32>
    %get3A_259 = arith.constant 432 : index
    %get3A_260 = tpu.vector_load %arg13[%get3A_259] {strides = array<i32>} : memref<1280xf32, #tpu.memory_space<vmem>>, vector<16xf32>,
    %add3A_261 = arith.addf %add3A_255, %get3A_260 : vector<16xf32>
    %get3A_262 = arith.constant 432 : index
    %get3A_263 = tpu.vector_load %arg14[%get3A_262] {strides = array<i32>} : memref<1280xf32, #tpu.memory_space<vmem>>, vector<16xf32>,
    %add3A_264 = arith.addf %add3A_258, %get3A_263 : vector<16xf32>
    %get3A_265 = arith.constant 512 : index
    %get3A_266 = tpu.vector_load %arg13[%get3A_265] {strides = array<i32>} : memref<1280xf32, #tpu.memory_space<vmem>>, vector<16xf32>,
    %add3A_267 = arith.addf %add3A_261, %get3A_266 : vector<16xf32>
    %get3A_268 = arith.constant 512 : index
    %get3A_269 = tpu.vector_load %arg14[%get3A_268] {strides = array<i32>} : memref<1280xf32, #tpu.memory_space<vmem>>, vector<16xf32>,
    %add3A_270 = arith.addf %add3A_264, %get3A_269 : vector<16xf32>
    %get3A_271 = arith.constant 592 : index
    %get3A_272 = tpu.vector_load %arg13[%get3A_271] {strides = array<i32>} : memref<1280xf32, #tpu.memory_space<vmem>>, vector<16xf32>,
    %add3A_273 = arith.addf %add3A_267, %get3A_272 : vector<16xf32>
    %get3A_274 = arith.constant 592 : index
    %get3A_275 = tpu.vector_load %arg14[%get3A_274] {strides = array<i32>} : memref<1280xf32, #tpu.memory_space<vmem>>, vector<16xf32>,
    %add3A_276 = arith.addf %add3A_270, %get3A_275 : vector<16xf32>
    %get3A_277 = arith.constant 672 : index
    %get3A_278 = tpu.vector_load %arg13[%get3A_277] {strides = array<i32>} : memref<1280xf32, #tpu.memory_space<vmem>>, vector<16xf32>,
    %add3A_279 = arith.addf %add3A_273, %get3A_278 : vector<16xf32>
    %get3A_280 = arith.constant 672 : index
    %get3A_281 = tpu.vector_load %arg14[%get3A_280] {strides = array<i32>} : memref<1280xf32, #tpu.memory_space<vmem>>, vector<16xf32>,
    %add3A_282 = arith.addf %add3A_276, %get3A_281 : vector<16xf32>
    %get3A_283 = arith.constant 752 : index
    %get3A_284 = tpu.vector_load %arg13[%get3A_283] {strides = array<i32>} : memref<1280xf32, #tpu.memory_space<vmem>>, vector<16xf32>,
    %add3A_285 = arith.addf %add3A_279, %get3A_284 : vector<16xf32>
    %get3A_286 = arith.constant 752 : index
    %get3A_287 = tpu.vector_load %arg14[%get3A_286] {strides = array<i32>} : memref<1280xf32, #tpu.memory_space<vmem>>, vector<16xf32>,
    %add3A_288 = arith.addf %add3A_282, %get3A_287 : vector<16xf32>
    %get3A_289 = arith.constant 832 : index
    %get3A_290 = tpu.vector_load %arg13[%get3A_289] {strides = array<i32>} : memref<1280xf32, #tpu.memory_space<vmem>>, vector<16xf32>,
    %add3A_291 = arith.addf %add3A_285, %get3A_290 : vector<16xf32>
    %get3A_292 = arith.constant 832 : index
    %get3A_293 = tpu.vector_load %arg14[%get3A_292] {strides = array<i32>} : memref<1280xf32, #tpu.memory_space<vmem>>, vector<16xf32>,
    %add3A_294 = arith.addf %add3A_288, %get3A_293 : vector<16xf32>
    %get3A_295 = arith.constant 912 : index
    %get3A_296 = tpu.vector_load %arg13[%get3A_295] {strides = array<i32>} : memref<1280xf32, #tpu.memory_space<vmem>>, vector<16xf32>,
    %add3A_297 = arith.addf %add3A_291, %get3A_296 : vector<16xf32>
    %get3A_298 = arith.constant 912 : index
    %get3A_299 = tpu.vector_load %arg14[%get3A_298] {strides = array<i32>} : memref<1280xf32, #tpu.memory_space<vmem>>, vector<16xf32>,
    %add3A_300 = arith.addf %add3A_294, %get3A_299 : vector<16xf32>
    %get3A_301 = arith.constant 992 : index
    %get3A_302 = tpu.vector_load %arg13[%get3A_301] {strides = array<i32>} : memref<1280xf32, #tpu.memory_space<vmem>>, vector<16xf32>,
    %add3A_303 = arith.addf %add3A_297, %get3A_302 : vector<16xf32>
    %get3A_304 = arith.constant 992 : index
    %get3A_305 = tpu.vector_load %arg14[%get3A_304] {strides = array<i32>} : memref<1280xf32, #tpu.memory_space<vmem>>, vector<16xf32>,
    %add3A_306 = arith.addf %add3A_300, %get3A_305 : vector<16xf32>
    %get3A_307 = arith.constant 1072 : index
    %get3A_308 = tpu.vector_load %arg13[%get3A_307] {strides = array<i32>} : memref<1280xf32, #tpu.memory_space<vmem>>, vector<16xf32>,
    %add3A_309 = arith.addf %add3A_303, %get3A_308 : vector<16xf32>
    %get3A_310 = arith.constant 1072 : index
    %get3A_311 = tpu.vector_load %arg14[%get3A_310] {strides = array<i32>} : memref<1280xf32, #tpu.memory_space<vmem>>, vector<16xf32>,
    %add3A_312 = arith.addf %add3A_306, %get3A_311 : vector<16xf32>
    %get3A_313 = arith.constant 1152 : index
    %get3A_314 = tpu.vector_load %arg13[%get3A_313] {strides = array<i32>} : memref<1280xf32, #tpu.memory_space<vmem>>, vector<16xf32>,
    %add3A_315 = arith.addf %add3A_309, %get3A_314 : vector<16xf32>
    %get3A_316 = arith.constant 1152 : index
    %get3A_317 = tpu.vector_load %arg14[%get3A_316] {strides = array<i32>} : memref<1280xf32, #tpu.memory_space<vmem>>, vector<16xf32>,
    %add3A_318 = arith.addf %add3A_312, %get3A_317 : vector<16xf32>
    %get3A_319 = arith.constant 1232 : index
    %get3A_320 = tpu.vector_load %arg13[%get3A_319] {strides = array<i32>} : memref<1280xf32, #tpu.memory_space<vmem>>, vector<16xf32>,
    %add3A_321 = arith.addf %add3A_315, %get3A_320 : vector<16xf32>
    %get3A_322 = arith.constant 1232 : index
    %get3A_323 = tpu.vector_load %arg14[%get3A_322] {strides = array<i32>} : memref<1280xf32, #tpu.memory_space<vmem>>, vector<16xf32>,
    %add3A_324 = arith.addf %add3A_318, %get3A_323 : vector<16xf32>
    %swap3A_325 = arith.constant 32 : index
    %swap3A_326 = tpu.vector_load %arg15[%swap3A_325] {strides = array<i32>} : memref<80xf32, #tpu.memory_space<vmem>>, vector<16xf32>,
    tpu.vector_store %arg15[%swap3A_325], %add3A_321 {strides = array<i32>} : memref<80xf32, #tpu.memory_space<vmem>>, vector<16xf32>,
    %swap3A_327 = arith.constant 32 : index
    %swap3A_328 = tpu.vector_load %arg16[%swap3A_327] {strides = array<i32>} : memref<80xf32, #tpu.memory_space<vmem>>, vector<16xf32>,
    tpu.vector_store %arg16[%swap3A_327], %add3A_324 {strides = array<i32>} : memref<80xf32, #tpu.memory_space<vmem>>, vector<16xf32>,
    %get3A_329 = arith.constant 48 : index
    %get3A_330 = tpu.vector_load %arg13[%get3A_329] {strides = array<i32>} : memref<1280xf32, #tpu.memory_space<vmem>>, vector<16xf32>,
    %add3A_331 = arith.addf %broadcast_in_dim3A_4, %get3A_330 : vector<16xf32>
    %get3A_332 = arith.constant 48 : index
    %get3A_333 = tpu.vector_load %arg14[%get3A_332] {strides = array<i32>} : memref<1280xf32, #tpu.memory_space<vmem>>, vector<16xf32>,
    %add3A_334 = arith.addf %broadcast_in_dim3A_4, %get3A_333 : vector<16xf32>
    %get3A_335 = arith.constant 128 : index
    %get3A_336 = tpu.vector_load %arg13[%get3A_335] {strides = array<i32>} : memref<1280xf32, #tpu.memory_space<vmem>>, vector<16xf32>,
    %add3A_337 = arith.addf %add3A_331, %get3A_336 : vector<16xf32>
    %get3A_338 = arith.constant 128 : index
    %get3A_339 = tpu.vector_load %arg14[%get3A_338] {strides = array<i32>} : memref<1280xf32, #tpu.memory_space<vmem>>, vector<16xf32>,
    %add3A_340 = arith.addf %add3A_334, %get3A_339 : vector<16xf32>
    %get3A_341 = arith.constant 208 : index
    %get3A_342 = tpu.vector_load %arg13[%get3A_341] {strides = array<i32>} : memref<1280xf32, #tpu.memory_space<vmem>>, vector<16xf32>,
    %add3A_343 = arith.addf %add3A_337, %get3A_342 : vector<16xf32>
    %get3A_344 = arith.constant 208 : index
    %get3A_345 = tpu.vector_load %arg14[%get3A_344] {strides = array<i32>} : memref<1280xf32, #tpu.memory_space<vmem>>, vector<16xf32>,
    %add3A_346 = arith.addf %add3A_340, %get3A_345 : vector<16xf32>
    %get3A_347 = arith.constant 288 : index
    %get3A_348 = tpu.vector_load %arg13[%get3A_347] {strides = array<i32>} : memref<1280xf32, #tpu.memory_space<vmem>>, vector<16xf32>,
    %add3A_349 = arith.addf %add3A_343, %get3A_348 : vector<16xf32>
    %get3A_350 = arith.constant 288 : index
    %get3A_351 = tpu.vector_load %arg14[%get3A_350] {strides = array<i32>} : memref<1280xf32, #tpu.memory_space<vmem>>, vector<16xf32>,
    %add3A_352 = arith.addf %add3A_346, %get3A_351 : vector<16xf32>
    %get3A_353 = arith.constant 368 : index
    %get3A_354 = tpu.vector_load %arg13[%get3A_353] {strides = array<i32>} : memref<1280xf32, #tpu.memory_space<vmem>>, vector<16xf32>,
    %add3A_355 = arith.addf %add3A_349, %get3A_354 : vector<16xf32>
    %get3A_356 = arith.constant 368 : index
    %get3A_357 = tpu.vector_load %arg14[%get3A_356] {strides = array<i32>} : memref<1280xf32, #tpu.memory_space<vmem>>, vector<16xf32>,
    %add3A_358 = arith.addf %add3A_352, %get3A_357 : vector<16xf32>
    %get3A_359 = arith.constant 448 : index
    %get3A_360 = tpu.vector_load %arg13[%get3A_359] {strides = array<i32>} : memref<1280xf32, #tpu.memory_space<vmem>>, vector<16xf32>,
    %add3A_361 = arith.addf %add3A_355, %get3A_360 : vector<16xf32>
    %get3A_362 = arith.constant 448 : index
    %get3A_363 = tpu.vector_load %arg14[%get3A_362] {strides = array<i32>} : memref<1280xf32, #tpu.memory_space<vmem>>, vector<16xf32>,
    %add3A_364 = arith.addf %add3A_358, %get3A_363 : vector<16xf32>
    %get3A_365 = arith.constant 528 : index
    %get3A_366 = tpu.vector_load %arg13[%get3A_365] {strides = array<i32>} : memref<1280xf32, #tpu.memory_space<vmem>>, vector<16xf32>,
    %add3A_367 = arith.addf %add3A_361, %get3A_366 : vector<16xf32>
    %get3A_368 = arith.constant 528 : index
    %get3A_369 = tpu.vector_load %arg14[%get3A_368] {strides = array<i32>} : memref<1280xf32, #tpu.memory_space<vmem>>, vector<16xf32>,
    %add3A_370 = arith.addf %add3A_364, %get3A_369 : vector<16xf32>
    %get3A_371 = arith.constant 608 : index
    %get3A_372 = tpu.vector_load %arg13[%get3A_371] {strides = array<i32>} : memref<1280xf32, #tpu.memory_space<vmem>>, vector<16xf32>,
    %add3A_373 = arith.addf %add3A_367, %get3A_372 : vector<16xf32>
    %get3A_374 = arith.constant 608 : index
    %get3A_375 = tpu.vector_load %arg14[%get3A_374] {strides = array<i32>} : memref<1280xf32, #tpu.memory_space<vmem>>, vector<16xf32>,
    %add3A_376 = arith.addf %add3A_370, %get3A_375 : vector<16xf32>
    %get3A_377 = arith.constant 688 : index
    %get3A_378 = tpu.vector_load %arg13[%get3A_377] {strides = array<i32>} : memref<1280xf32, #tpu.memory_space<vmem>>, vector<16xf32>,
    %add3A_379 = arith.addf %add3A_373, %get3A_378 : vector<16xf32>
    %get3A_380 = arith.constant 688 : index
    %get3A_381 = tpu.vector_load %arg14[%get3A_380] {strides = array<i32>} : memref<1280xf32, #tpu.memory_space<vmem>>, vector<16xf32>,
    %add3A_382 = arith.addf %add3A_376, %get3A_381 : vector<16xf32>
    %get3A_383 = arith.constant 768 : index
    %get3A_384 = tpu.vector_load %arg13[%get3A_383] {strides = array<i32>} : memref<1280xf32, #tpu.memory_space<vmem>>, vector<16xf32>,
    %add3A_385 = arith.addf %add3A_379, %get3A_384 : vector<16xf32>
    %get3A_386 = arith.constant 768 : index
    %get3A_387 = tpu.vector_load %arg14[%get3A_386] {strides = array<i32>} : memref<1280xf32, #tpu.memory_space<vmem>>, vector<16xf32>,
    %add3A_388 = arith.addf %add3A_382, %get3A_387 : vector<16xf32>
    %get3A_389 = arith.constant 848 : index
    %get3A_390 = tpu.vector_load %arg13[%get3A_389] {strides = array<i32>} : memref<1280xf32, #tpu.memory_space<vmem>>, vector<16xf32>,
    %add3A_391 = arith.addf %add3A_385, %get3A_390 : vector<16xf32>
    %get3A_392 = arith.constant 848 : index
    %get3A_393 = tpu.vector_load %arg14[%get3A_392] {strides = array<i32>} : memref<1280xf32, #tpu.memory_space<vmem>>, vector<16xf32>,
    %add3A_394 = arith.addf %add3A_388, %get3A_393 : vector<16xf32>
    %get3A_395 = arith.constant 928 : index
    %get3A_396 = tpu.vector_load %arg13[%get3A_395] {strides = array<i32>} : memref<1280xf32, #tpu.memory_space<vmem>>, vector<16xf32>,
    %add3A_397 = arith.addf %add3A_391, %get3A_396 : vector<16xf32>
    %get3A_398 = arith.constant 928 : index
    %get3A_399 = tpu.vector_load %arg14[%get3A_398] {strides = array<i32>} : memref<1280xf32, #tpu.memory_space<vmem>>, vector<16xf32>,
    %add3A_400 = arith.addf %add3A_394, %get3A_399 : vector<16xf32>
    %get3A_401 = arith.constant 1008 : index
    %get3A_402 = tpu.vector_load %arg13[%get3A_401] {strides = array<i32>} : memref<1280xf32, #tpu.memory_space<vmem>>, vector<16xf32>,
    %add3A_403 = arith.addf %add3A_397, %get3A_402 : vector<16xf32>
    %get3A_404 = arith.constant 1008 : index
    %get3A_405 = tpu.vector_load %arg14[%get3A_404] {strides = array<i32>} : memref<1280xf32, #tpu.memory_space<vmem>>, vector<16xf32>,
    %add3A_406 = arith.addf %add3A_400, %get3A_405 : vector<16xf32>
    %get3A_407 = arith.constant 1088 : index
    %get3A_408 = tpu.vector_load %arg13[%get3A_407] {strides = array<i32>} : memref<1280xf32, #tpu.memory_space<vmem>>, vector<16xf32>,
    %add3A_409 = arith.addf %add3A_403, %get3A_408 : vector<16xf32>
    %get3A_410 = arith.constant 1088 : index
    %get3A_411 = tpu.vector_load %arg14[%get3A_410] {strides = array<i32>} : memref<1280xf32, #tpu.memory_space<vmem>>, vector<16xf32>,
    %add3A_412 = arith.addf %add3A_406, %get3A_411 : vector<16xf32>
    %get3A_413 = arith.constant 1168 : index
    %get3A_414 = tpu.vector_load %arg13[%get3A_413] {strides = array<i32>} : memref<1280xf32, #tpu.memory_space<vmem>>, vector<16xf32>,
    %add3A_415 = arith.addf %add3A_409, %get3A_414 : vector<16xf32>
    %get3A_416 = arith.constant 1168 : index
    %get3A_417 = tpu.vector_load %arg14[%get3A_416] {strides = array<i32>} : memref<1280xf32, #tpu.memory_space<vmem>>, vector<16xf32>,
    %add3A_418 = arith.addf %add3A_412, %get3A_417 : vector<16xf32>
    %get3A_419 = arith.constant 1248 : index
    %get3A_420 = tpu.vector_load %arg13[%get3A_419] {strides = array<i32>} : memref<1280xf32, #tpu.memory_space<vmem>>, vector<16xf32>,
    %add3A_421 = arith.addf %add3A_415, %get3A_420 : vector<16xf32>
    %get3A_422 = arith.constant 1248 : index
    %get3A_423 = tpu.vector_load %arg14[%get3A_422] {strides = array<i32>} : memref<1280xf32, #tpu.memory_space<vmem>>, vector<16xf32>,
    %add3A_424 = arith.addf %add3A_418, %get3A_423 : vector<16xf32>
    %swap3A_425 = arith.constant 48 : index
    %swap3A_426 = tpu.vector_load %arg15[%swap3A_425] {strides = array<i32>} : memref<80xf32, #tpu.memory_space<vmem>>, vector<16xf32>,
    tpu.vector_store %arg15[%swap3A_425], %add3A_421 {strides = array<i32>} : memref<80xf32, #tpu.memory_space<vmem>>, vector<16xf32>,
    %swap3A_427 = arith.constant 48 : index
    %swap3A_428 = tpu.vector_load %arg16[%swap3A_427] {strides = array<i32>} : memref<80xf32, #tpu.memory_space<vmem>>, vector<16xf32>,
    tpu.vector_store %arg16[%swap3A_427], %add3A_424 {strides = array<i32>} : memref<80xf32, #tpu.memory_space<vmem>>, vector<16xf32>,
    %get3A_429 = arith.constant 64 : index
    %get3A_430 = tpu.vector_load %arg13[%get3A_429] {strides = array<i32>} : memref<1280xf32, #tpu.memory_space<vmem>>, vector<16xf32>,
    %add3A_431 = arith.addf %broadcast_in_dim3A_4, %get3A_430 : vector<16xf32>
    %get3A_432 = arith.constant 64 : index
    %get3A_433 = tpu.vector_load %arg14[%get3A_432] {strides = array<i32>} : memref<1280xf32, #tpu.memory_space<vmem>>, vector<16xf32>,
    %add3A_434 = arith.addf %broadcast_in_dim3A_4, %get3A_433 : vector<16xf32>
    %get3A_435 = arith.constant 144 : index
    %get3A_436 = tpu.vector_load %arg13[%get3A_435] {strides = array<i32>} : memref<1280xf32, #tpu.memory_space<vmem>>, vector<16xf32>,
    %add3A_437 = arith.addf %add3A_431, %get3A_436 : vector<16xf32>
    %get3A_438 = arith.constant 144 : index
    %get3A_439 = tpu.vector_load %arg14[%get3A_438] {strides = array<i32>} : memref<1280xf32, #tpu.memory_space<vmem>>, vector<16xf32>,
    %add3A_440 = arith.addf %add3A_434, %get3A_439 : vector<16xf32>
    %get3A_441 = arith.constant 224 : index
    %get3A_442 = tpu.vector_load %arg13[%get3A_441] {strides = array<i32>} : memref<1280xf32, #tpu.memory_space<vmem>>, vector<16xf32>,
    %add3A_443 = arith.addf %add3A_437, %get3A_442 : vector<16xf32>
    %get3A_444 = arith.constant 224 : index
    %get3A_445 = tpu.vector_load %arg14[%get3A_444] {strides = array<i32>} : memref<1280xf32, #tpu.memory_space<vmem>>, vector<16xf32>,
    %add3A_446 = arith.addf %add3A_440, %get3A_445 : vector<16xf32>
    %get3A_447 = arith.constant 304 : index
    %get3A_448 = tpu.vector_load %arg13[%get3A_447] {strides = array<i32>} : memref<1280xf32, #tpu.memory_space<vmem>>, vector<16xf32>,
    %add3A_449 = arith.addf %add3A_443, %get3A_448 : vector<16xf32>
    %get3A_450 = arith.constant 304 : index
    %get3A_451 = tpu.vector_load %arg14[%get3A_450] {strides = array<i32>} : memref<1280xf32, #tpu.memory_space<vmem>>, vector<16xf32>,
    %add3A_452 = arith.addf %add3A_446, %get3A_451 : vector<16xf32>
    %get3A_453 = arith.constant 384 : index
    %get3A_454 = tpu.vector_load %arg13[%get3A_453] {strides = array<i32>} : memref<1280xf32, #tpu.memory_space<vmem>>, vector<16xf32>,
    %add3A_455 = arith.addf %add3A_449, %get3A_454 : vector<16xf32>
    %get3A_456 = arith.constant 384 : index
    %get3A_457 = tpu.vector_load %arg14[%get3A_456] {strides = array<i32>} : memref<1280xf32, #tpu.memory_space<vmem>>, vector<16xf32>,
    %add3A_458 = arith.addf %add3A_452, %get3A_457 : vector<16xf32>
    %get3A_459 = arith.constant 464 : index
    %get3A_460 = tpu.vector_load %arg13[%get3A_459] {strides = array<i32>} : memref<1280xf32, #tpu.memory_space<vmem>>, vector<16xf32>,
    %add3A_461 = arith.addf %add3A_455, %get3A_460 : vector<16xf32>
    %get3A_462 = arith.constant 464 : index
    %get3A_463 = tpu.vector_load %arg14[%get3A_462] {strides = array<i32>} : memref<1280xf32, #tpu.memory_space<vmem>>, vector<16xf32>,
    %add3A_464 = arith.addf %add3A_458, %get3A_463 : vector<16xf32>
    %get3A_465 = arith.constant 544 : index
    %get3A_466 = tpu.vector_load %arg13[%get3A_465] {strides = array<i32>} : memref<1280xf32, #tpu.memory_space<vmem>>, vector<16xf32>,
    %add3A_467 = arith.addf %add3A_461, %get3A_466 : vector<16xf32>
    %get3A_468 = arith.constant 544 : index
    %get3A_469 = tpu.vector_load %arg14[%get3A_468] {strides = array<i32>} : memref<1280xf32, #tpu.memory_space<vmem>>, vector<16xf32>,
    %add3A_470 = arith.addf %add3A_464, %get3A_469 : vector<16xf32>
    %get3A_471 = arith.constant 624 : index
    %get3A_472 = tpu.vector_load %arg13[%get3A_471] {strides = array<i32>} : memref<1280xf32, #tpu.memory_space<vmem>>, vector<16xf32>,
    %add3A_473 = arith.addf %add3A_467, %get3A_472 : vector<16xf32>
    %get3A_474 = arith.constant 624 : index
    %get3A_475 = tpu.vector_load %arg14[%get3A_474] {strides = array<i32>} : memref<1280xf32, #tpu.memory_space<vmem>>, vector<16xf32>,
    %add3A_476 = arith.addf %add3A_470, %get3A_475 : vector<16xf32>
    %get3A_477 = arith.constant 704 : index
    %get3A_478 = tpu.vector_load %arg13[%get3A_477] {strides = array<i32>} : memref<1280xf32, #tpu.memory_space<vmem>>, vector<16xf32>,
    %add3A_479 = arith.addf %add3A_473, %get3A_478 : vector<16xf32>
    %get3A_480 = arith.constant 704 : index
    %get3A_481 = tpu.vector_load %arg14[%get3A_480] {strides = array<i32>} : memref<1280xf32, #tpu.memory_space<vmem>>, vector<16xf32>,
    %add3A_482 = arith.addf %add3A_476, %get3A_481 : vector<16xf32>
    %get3A_483 = arith.constant 784 : index
    %get3A_484 = tpu.vector_load %arg13[%get3A_483] {strides = array<i32>} : memref<1280xf32, #tpu.memory_space<vmem>>, vector<16xf32>,
    %add3A_485 = arith.addf %add3A_479, %get3A_484 : vector<16xf32>
    %get3A_486 = arith.constant 784 : index
    %get3A_487 = tpu.vector_load %arg14[%get3A_486] {strides = array<i32>} : memref<1280xf32, #tpu.memory_space<vmem>>, vector<16xf32>,
    %add3A_488 = arith.addf %add3A_482, %get3A_487 : vector<16xf32>
    %get3A_489 = arith.constant 864 : index
    %get3A_490 = tpu.vector_load %arg13[%get3A_489] {strides = array<i32>} : memref<1280xf32, #tpu.memory_space<vmem>>, vector<16xf32>,
    %add3A_491 = arith.addf %add3A_485, %get3A_490 : vector<16xf32>
    %get3A_492 = arith.constant 864 : index
    %get3A_493 = tpu.vector_load %arg14[%get3A_492] {strides = array<i32>} : memref<1280xf32, #tpu.memory_space<vmem>>, vector<16xf32>,
    %add3A_494 = arith.addf %add3A_488, %get3A_493 : vector<16xf32>
    %get3A_495 = arith.constant 944 : index
    %get3A_496 = tpu.vector_load %arg13[%get3A_495] {strides = array<i32>} : memref<1280xf32, #tpu.memory_space<vmem>>, vector<16xf32>,
    %add3A_497 = arith.addf %add3A_491, %get3A_496 : vector<16xf32>
    %get3A_498 = arith.constant 944 : index
    %get3A_499 = tpu.vector_load %arg14[%get3A_498] {strides = array<i32>} : memref<1280xf32, #tpu.memory_space<vmem>>, vector<16xf32>,
    %add3A_500 = arith.addf %add3A_494, %get3A_499 : vector<16xf32>
    %get3A_501 = arith.constant 1024 : index
    %get3A_502 = tpu.vector_load %arg13[%get3A_501] {strides = array<i32>} : memref<1280xf32, #tpu.memory_space<vmem>>, vector<16xf32>,
    %add3A_503 = arith.addf %add3A_497, %get3A_502 : vector<16xf32>
    %get3A_504 = arith.constant 1024 : index
    %get3A_505 = tpu.vector_load %arg14[%get3A_504] {strides = array<i32>} : memref<1280xf32, #tpu.memory_space<vmem>>, vector<16xf32>,
    %add3A_506 = arith.addf %add3A_500, %get3A_505 : vector<16xf32>
    %get3A_507 = arith.constant 1104 : index
    %get3A_508 = tpu.vector_load %arg13[%get3A_507] {strides = array<i32>} : memref<1280xf32, #tpu.memory_space<vmem>>, vector<16xf32>,
    %add3A_509 = arith.addf %add3A_503, %get3A_508 : vector<16xf32>
    %get3A_510 = arith.constant 1104 : index
    %get3A_511 = tpu.vector_load %arg14[%get3A_510] {strides = array<i32>} : memref<1280xf32, #tpu.memory_space<vmem>>, vector<16xf32>,
    %add3A_512 = arith.addf %add3A_506, %get3A_511 : vector<16xf32>
    %get3A_513 = arith.constant 1184 : index
    %get3A_514 = tpu.vector_load %arg13[%get3A_513] {strides = array<i32>} : memref<1280xf32, #tpu.memory_space<vmem>>, vector<16xf32>,
    %add3A_515 = arith.addf %add3A_509, %get3A_514 : vector<16xf32>
    %get3A_516 = arith.constant 1184 : index
    %get3A_517 = tpu.vector_load %arg14[%get3A_516] {strides = array<i32>} : memref<1280xf32, #tpu.memory_space<vmem>>, vector<16xf32>,
    %add3A_518 = arith.addf %add3A_512, %get3A_517 : vector<16xf32>
    %get3A_519 = arith.constant 1264 : index
    %get3A_520 = tpu.vector_load %arg13[%get3A_519] {strides = array<i32>} : memref<1280xf32, #tpu.memory_space<vmem>>, vector<16xf32>,
    %add3A_521 = arith.addf %add3A_515, %get3A_520 : vector<16xf32>
    %get3A_522 = arith.constant 1264 : index
    %get3A_523 = tpu.vector_load %arg14[%get3A_522] {strides = array<i32>} : memref<1280xf32, #tpu.memory_space<vmem>>, vector<16xf32>,
    %add3A_524 = arith.addf %add3A_518, %get3A_523 : vector<16xf32>
    %swap3A_525 = arith.constant 64 : index
    %swap3A_526 = tpu.vector_load %arg15[%swap3A_525] {strides = array<i32>} : memref<80xf32, #tpu.memory_space<vmem>>, vector<16xf32>,
    tpu.vector_store %arg15[%swap3A_525], %add3A_521 {strides = array<i32>} : memref<80xf32, #tpu.memory_space<vmem>>, vector<16xf32>,
    %swap3A_527 = arith.constant 64 : index
    %swap3A_528 = tpu.vector_load %arg16[%swap3A_527] {strides = array<i32>} : memref<80xf32, #tpu.memory_space<vmem>>, vector<16xf32>,
    tpu.vector_store %arg16[%swap3A_527], %add3A_524 {strides = array<i32>} : memref<80xf32, #tpu.memory_space<vmem>>, vector<16xf32>,
    %mul3A_529 = arith.constant 10240 : i32
    %mul3A_530 = arith.muli %add3A, %mul3A_529 : i32
    "tpu.region"() ({
      %run_scoped3A = tpu.sem_alloc : memref<!tpu.dma_semaphore, #tpu.memory_space<semaphore_mem>>
      %dma_start3A_531 = tpu.memref_slice %arg5[%mul3A_530] : memref<327680xf32, #tpu.memory_space<hbm>> -> memref<10240xf32, #tpu.memory_space<hbm>>
      %dma_start3A_532 = tpu.memref_slice %arg5[%mul3A_530] : memref<327680xf32, #tpu.memory_space<hbm>> -> memref<10240xf32, #tpu.memory_space<hbm>>
      tpu.enqueue_dma source(%arg12 : memref<10240xf32, #tpu.memory_space<vmem>>) target(%dma_start3A_532 : memref<10240xf32, #tpu.memory_space<hbm>>) target_semaphore(%run_scoped3A : memref<!tpu.dma_semaphore, #tpu.memory_space<semaphore_mem>>)
      %dma_wait3A = tpu.memref_slice %arg5[%mul3A_530] : memref<327680xf32, #tpu.memory_space<hbm>> -> memref<10240xf32, #tpu.memory_space<hbm>>
      %dma_wait3A_533 = tpu.memref_slice %arg5[%mul3A_530] : memref<327680xf32, #tpu.memory_space<hbm>> -> memref<10240xf32, #tpu.memory_space<hbm>>
      tpu.wait_dma2 semaphore(%run_scoped3A : memref<!tpu.dma_semaphore, #tpu.memory_space<semaphore_mem>>) src(%arg12 : memref<10240xf32, #tpu.memory_space<vmem>>) dst(%dma_wait3A_533 : memref<10240xf32, #tpu.memory_space<hbm>>)
      tpu.yield
    }) : () -> ()
    "tpu.region"() ({
      %run_scoped3A = tpu.sem_alloc : memref<!tpu.dma_semaphore, #tpu.memory_space<semaphore_mem>>
      %dma_start3A_531 = arith.constant 0 : i32
      %dma_start3A_532 = tpu.memref_slice %arg6[%add3A, %dma_start3A_531] : memref<32x80xf32, #tpu.memory_space<hbm>> -> memref<1x80xf32, #tpu.memory_space<hbm>>
      %dma_start3A_533 = tpu.memref_squeeze %dma_start3A_532 : memref<1x80xf32, #tpu.memory_space<hbm>> -> memref<80xf32, #tpu.memory_space<hbm>>
      %dma_start3A_534 = arith.constant 0 : i32
      %dma_start3A_535 = tpu.memref_slice %arg6[%add3A, %dma_start3A_534] : memref<32x80xf32, #tpu.memory_space<hbm>> -> memref<1x80xf32, #tpu.memory_space<hbm>>
      %dma_start3A_536 = tpu.memref_squeeze %dma_start3A_535 : memref<1x80xf32, #tpu.memory_space<hbm>> -> memref<80xf32, #tpu.memory_space<hbm>>
      tpu.enqueue_dma source(%arg15 : memref<80xf32, #tpu.memory_space<vmem>>) target(%dma_start3A_536 : memref<80xf32, #tpu.memory_space<hbm>>) target_semaphore(%run_scoped3A : memref<!tpu.dma_semaphore, #tpu.memory_space<semaphore_mem>>)
      %dma_wait3A = arith.constant 0 : i32
      %dma_wait3A_537 = tpu.memref_slice %arg6[%add3A, %dma_wait3A] : memref<32x80xf32, #tpu.memory_space<hbm>> -> memref<1x80xf32, #tpu.memory_space<hbm>>
      %dma_wait3A_538 = tpu.memref_squeeze %dma_wait3A_537 : memref<1x80xf32, #tpu.memory_space<hbm>> -> memref<80xf32, #tpu.memory_space<hbm>>
      %dma_wait3A_539 = arith.constant 0 : i32
      %dma_wait3A_540 = tpu.memref_slice %arg6[%add3A, %dma_wait3A_539] : memref<32x80xf32, #tpu.memory_space<hbm>> -> memref<1x80xf32, #tpu.memory_space<hbm>>
      %dma_wait3A_541 = tpu.memref_squeeze %dma_wait3A_540 : memref<1x80xf32, #tpu.memory_space<hbm>> -> memref<80xf32, #tpu.memory_space<hbm>>
      tpu.wait_dma2 semaphore(%run_scoped3A : memref<!tpu.dma_semaphore, #tpu.memory_space<semaphore_mem>>) src(%arg15 : memref<80xf32, #tpu.memory_space<vmem>>) dst(%dma_wait3A_541 : memref<80xf32, #tpu.memory_space<hbm>>)
      tpu.yield
    }) : () -> ()
    "tpu.region"() ({
      %run_scoped3A = tpu.sem_alloc : memref<!tpu.dma_semaphore, #tpu.memory_space<semaphore_mem>>
      %dma_start3A_531 = arith.constant 0 : i32
      %dma_start3A_532 = tpu.memref_slice %arg7[%add3A, %dma_start3A_531] : memref<32x80xf32, #tpu.memory_space<hbm>> -> memref<1x80xf32, #tpu.memory_space<hbm>>
      %dma_start3A_533 = tpu.memref_squeeze %dma_start3A_532 : memref<1x80xf32, #tpu.memory_space<hbm>> -> memref<80xf32, #tpu.memory_space<hbm>>
      %dma_start3A_534 = arith.constant 0 : i32
      %dma_start3A_535 = tpu.memref_slice %arg7[%add3A, %dma_start3A_534] : memref<32x80xf32, #tpu.memory_space<hbm>> -> memref<1x80xf32, #tpu.memory_space<hbm>>
      %dma_start3A_536 = tpu.memref_squeeze %dma_start3A_535 : memref<1x80xf32, #tpu.memory_space<hbm>> -> memref<80xf32, #tpu.memory_space<hbm>>
      tpu.enqueue_dma source(%arg16 : memref<80xf32, #tpu.memory_space<vmem>>) target(%dma_start3A_536 : memref<80xf32, #tpu.memory_space<hbm>>) target_semaphore(%run_scoped3A : memref<!tpu.dma_semaphore, #tpu.memory_space<semaphore_mem>>)
      %dma_wait3A = arith.constant 0 : i32
      %dma_wait3A_537 = tpu.memref_slice %arg7[%add3A, %dma_wait3A] : memref<32x80xf32, #tpu.memory_space<hbm>> -> memref<1x80xf32, #tpu.memory_space<hbm>>
      %dma_wait3A_538 = tpu.memref_squeeze %dma_wait3A_537 : memref<1x80xf32, #tpu.memory_space<hbm>> -> memref<80xf32, #tpu.memory_space<hbm>>
      %dma_wait3A_539 = arith.constant 0 : i32
      %dma_wait3A_540 = tpu.memref_slice %arg7[%add3A, %dma_wait3A_539] : memref<32x80xf32, #tpu.memory_space<hbm>> -> memref<1x80xf32, #tpu.memory_space<hbm>>
      %dma_wait3A_541 = tpu.memref_squeeze %dma_wait3A_540 : memref<1x80xf32, #tpu.memory_space<hbm>> -> memref<80xf32, #tpu.memory_space<hbm>>
      tpu.wait_dma2 semaphore(%run_scoped3A : memref<!tpu.dma_semaphore, #tpu.memory_space<semaphore_mem>>) src(%arg16 : memref<80xf32, #tpu.memory_space<vmem>>) dst(%dma_wait3A_541 : memref<80xf32, #tpu.memory_space<hbm>>)
      tpu.yield
    }) : () -> ()
    return
  }
}

module attributes {stable_mosaic.version = 14 : i64} {
  func.func @_tc_body(%arg0: i32, %arg1: memref<3xf32, #tpu.memory_space<smem>>, %arg2: memref<8192x128xf32, #tpu.memory_space<vmem>>, %arg3: memref<1x1x8192xi32, #tpu.memory_space<vmem>>, %arg4: memref<2560x128xf32, #tpu.memory_space<vmem>>, %arg5: memref<32x80xf32, #tpu.memory_space<vmem>>, %arg6: memref<32x80xf32, #tpu.memory_space<vmem>>, %arg7: memref<1xf32, #tpu.memory_space<smem>>, %arg8: memref<80x128xbf16, #tpu.memory_space<vmem>>, %arg9: memref<80x1xf32, #tpu.memory_space<vmem>>, %arg10: memref<8xf32, #tpu.memory_space<smem>>) attributes {dimension_semantics = [#tpu.dimension_semantics<arbitrary>], iteration_bounds = array<i64: 8>, scalar_prefetch = 0 : i64, scratch_operands = 3 : i64, tpu.core_type = #tpu.core_type<tc>, window_params = [{transform_indices = @transform_0, window_bounds = array<i64: 3>}, {transform_indices = @transform_1, window_bounds = array<i64: 8192, 128>}, {transform_indices = @transform_2, window_bounds = array<i64: 1, 1, 8192>}, {pipeline_mode = #tpu.pipeline_mode<synchronous>, transform_indices = @transform_3, window_bounds = array<i64: 2560, 128>}, {pipeline_mode = #tpu.pipeline_mode<synchronous>, transform_indices = @transform_4, window_bounds = array<i64: 32, 80>}, {pipeline_mode = #tpu.pipeline_mode<synchronous>, transform_indices = @transform_5, window_bounds = array<i64: 32, 80>}, {transform_indices = @transform_6, window_bounds = array<i64: 1>}]} {
    %eq3A = arith.constant 0 : i32
    %eq3A_0 = arith.cmpi eq, %arg0, %eq3A : i32
    %convert_element_type3A = arith.extui %eq3A_0 : i1 to i32
    %cond3A = arith.constant 0 : i32
    %cond3A_1 = arith.cmpi ne, %convert_element_type3A, %cond3A : i32
    scf.if %cond3A_1 {
      %get3A_146 = arith.constant 0 : index
      %get3A_147 = arith.constant 0 : index
      %get3A_148 = vector.load %arg5[%get3A_146, %get3A_147] : memref<32x80xf32, #tpu.memory_space<vmem>>, vector<32x80xf32>
      %get3A_149 = arith.constant 0 : index
      %get3A_150 = arith.constant 0 : index
      %get3A_151 = vector.load %arg6[%get3A_149, %get3A_150] : memref<32x80xf32, #tpu.memory_space<vmem>>, vector<32x80xf32>
      %get3A_152 = arith.constant 0 : index
      %get3A_153 = arith.constant 0 : index
      %get3A_154 = vector.load %arg4[%get3A_152, %get3A_153] : memref<2560x128xf32, #tpu.memory_space<vmem>>, vector<80x128xf32>
      %get3A_155 = arith.constant 80 : index
      %get3A_156 = arith.constant 0 : index
      %get3A_157 = vector.load %arg4[%get3A_155, %get3A_156] : memref<2560x128xf32, #tpu.memory_space<vmem>>, vector<80x128xf32>
      %add3A_158 = arith.addf %get3A_154, %get3A_157 : vector<80x128xf32>
      %get3A_159 = arith.constant 160 : index
      %get3A_160 = arith.constant 0 : index
      %get3A_161 = vector.load %arg4[%get3A_159, %get3A_160] : memref<2560x128xf32, #tpu.memory_space<vmem>>, vector<80x128xf32>
      %add3A_162 = arith.addf %add3A_158, %get3A_161 : vector<80x128xf32>
      %get3A_163 = arith.constant 240 : index
      %get3A_164 = arith.constant 0 : index
      %get3A_165 = vector.load %arg4[%get3A_163, %get3A_164] : memref<2560x128xf32, #tpu.memory_space<vmem>>, vector<80x128xf32>
      %add3A_166 = arith.addf %add3A_162, %get3A_165 : vector<80x128xf32>
      %get3A_167 = arith.constant 320 : index
      %get3A_168 = arith.constant 0 : index
      %get3A_169 = vector.load %arg4[%get3A_167, %get3A_168] : memref<2560x128xf32, #tpu.memory_space<vmem>>, vector<80x128xf32>
      %add3A_170 = arith.addf %add3A_166, %get3A_169 : vector<80x128xf32>
      %get3A_171 = arith.constant 400 : index
      %get3A_172 = arith.constant 0 : index
      %get3A_173 = vector.load %arg4[%get3A_171, %get3A_172] : memref<2560x128xf32, #tpu.memory_space<vmem>>, vector<80x128xf32>
      %add3A_174 = arith.addf %add3A_170, %get3A_173 : vector<80x128xf32>
      %get3A_175 = arith.constant 480 : index
      %get3A_176 = arith.constant 0 : index
      %get3A_177 = vector.load %arg4[%get3A_175, %get3A_176] : memref<2560x128xf32, #tpu.memory_space<vmem>>, vector<80x128xf32>
      %add3A_178 = arith.addf %add3A_174, %get3A_177 : vector<80x128xf32>
      %get3A_179 = arith.constant 560 : index
      %get3A_180 = arith.constant 0 : index
      %get3A_181 = vector.load %arg4[%get3A_179, %get3A_180] : memref<2560x128xf32, #tpu.memory_space<vmem>>, vector<80x128xf32>
      %add3A_182 = arith.addf %add3A_178, %get3A_181 : vector<80x128xf32>
      %get3A_183 = arith.constant 640 : index
      %get3A_184 = arith.constant 0 : index
      %get3A_185 = vector.load %arg4[%get3A_183, %get3A_184] : memref<2560x128xf32, #tpu.memory_space<vmem>>, vector<80x128xf32>
      %add3A_186 = arith.addf %add3A_182, %get3A_185 : vector<80x128xf32>
      %get3A_187 = arith.constant 720 : index
      %get3A_188 = arith.constant 0 : index
      %get3A_189 = vector.load %arg4[%get3A_187, %get3A_188] : memref<2560x128xf32, #tpu.memory_space<vmem>>, vector<80x128xf32>
      %add3A_190 = arith.addf %add3A_186, %get3A_189 : vector<80x128xf32>
      %get3A_191 = arith.constant 800 : index
      %get3A_192 = arith.constant 0 : index
      %get3A_193 = vector.load %arg4[%get3A_191, %get3A_192] : memref<2560x128xf32, #tpu.memory_space<vmem>>, vector<80x128xf32>
      %add3A_194 = arith.addf %add3A_190, %get3A_193 : vector<80x128xf32>
      %get3A_195 = arith.constant 880 : index
      %get3A_196 = arith.constant 0 : index
      %get3A_197 = vector.load %arg4[%get3A_195, %get3A_196] : memref<2560x128xf32, #tpu.memory_space<vmem>>, vector<80x128xf32>
      %add3A_198 = arith.addf %add3A_194, %get3A_197 : vector<80x128xf32>
      %get3A_199 = arith.constant 960 : index
      %get3A_200 = arith.constant 0 : index
      %get3A_201 = vector.load %arg4[%get3A_199, %get3A_200] : memref<2560x128xf32, #tpu.memory_space<vmem>>, vector<80x128xf32>
      %add3A_202 = arith.addf %add3A_198, %get3A_201 : vector<80x128xf32>
      %get3A_203 = arith.constant 1040 : index
      %get3A_204 = arith.constant 0 : index
      %get3A_205 = vector.load %arg4[%get3A_203, %get3A_204] : memref<2560x128xf32, #tpu.memory_space<vmem>>, vector<80x128xf32>
      %add3A_206 = arith.addf %add3A_202, %get3A_205 : vector<80x128xf32>
      %get3A_207 = arith.constant 1120 : index
      %get3A_208 = arith.constant 0 : index
      %get3A_209 = vector.load %arg4[%get3A_207, %get3A_208] : memref<2560x128xf32, #tpu.memory_space<vmem>>, vector<80x128xf32>
      %add3A_210 = arith.addf %add3A_206, %get3A_209 : vector<80x128xf32>
      %get3A_211 = arith.constant 1200 : index
      %get3A_212 = arith.constant 0 : index
      %get3A_213 = vector.load %arg4[%get3A_211, %get3A_212] : memref<2560x128xf32, #tpu.memory_space<vmem>>, vector<80x128xf32>
      %add3A_214 = arith.addf %add3A_210, %get3A_213 : vector<80x128xf32>
      %get3A_215 = arith.constant 1280 : index
      %get3A_216 = arith.constant 0 : index
      %get3A_217 = vector.load %arg4[%get3A_215, %get3A_216] : memref<2560x128xf32, #tpu.memory_space<vmem>>, vector<80x128xf32>
      %add3A_218 = arith.addf %add3A_214, %get3A_217 : vector<80x128xf32>
      %get3A_219 = arith.constant 1360 : index
      %get3A_220 = arith.constant 0 : index
      %get3A_221 = vector.load %arg4[%get3A_219, %get3A_220] : memref<2560x128xf32, #tpu.memory_space<vmem>>, vector<80x128xf32>
      %add3A_222 = arith.addf %add3A_218, %get3A_221 : vector<80x128xf32>
      %get3A_223 = arith.constant 1440 : index
      %get3A_224 = arith.constant 0 : index
      %get3A_225 = vector.load %arg4[%get3A_223, %get3A_224] : memref<2560x128xf32, #tpu.memory_space<vmem>>, vector<80x128xf32>
      %add3A_226 = arith.addf %add3A_222, %get3A_225 : vector<80x128xf32>
      %get3A_227 = arith.constant 1520 : index
      %get3A_228 = arith.constant 0 : index
      %get3A_229 = vector.load %arg4[%get3A_227, %get3A_228] : memref<2560x128xf32, #tpu.memory_space<vmem>>, vector<80x128xf32>
      %add3A_230 = arith.addf %add3A_226, %get3A_229 : vector<80x128xf32>
      %get3A_231 = arith.constant 1600 : index
      %get3A_232 = arith.constant 0 : index
      %get3A_233 = vector.load %arg4[%get3A_231, %get3A_232] : memref<2560x128xf32, #tpu.memory_space<vmem>>, vector<80x128xf32>
      %add3A_234 = arith.addf %add3A_230, %get3A_233 : vector<80x128xf32>
      %get3A_235 = arith.constant 1680 : index
      %get3A_236 = arith.constant 0 : index
      %get3A_237 = vector.load %arg4[%get3A_235, %get3A_236] : memref<2560x128xf32, #tpu.memory_space<vmem>>, vector<80x128xf32>
      %add3A_238 = arith.addf %add3A_234, %get3A_237 : vector<80x128xf32>
      %get3A_239 = arith.constant 1760 : index
      %get3A_240 = arith.constant 0 : index
      %get3A_241 = vector.load %arg4[%get3A_239, %get3A_240] : memref<2560x128xf32, #tpu.memory_space<vmem>>, vector<80x128xf32>
      %add3A_242 = arith.addf %add3A_238, %get3A_241 : vector<80x128xf32>
      %get3A_243 = arith.constant 1840 : index
      %get3A_244 = arith.constant 0 : index
      %get3A_245 = vector.load %arg4[%get3A_243, %get3A_244] : memref<2560x128xf32, #tpu.memory_space<vmem>>, vector<80x128xf32>
      %add3A_246 = arith.addf %add3A_242, %get3A_245 : vector<80x128xf32>
      %get3A_247 = arith.constant 1920 : index
      %get3A_248 = arith.constant 0 : index
      %get3A_249 = vector.load %arg4[%get3A_247, %get3A_248] : memref<2560x128xf32, #tpu.memory_space<vmem>>, vector<80x128xf32>
      %add3A_250 = arith.addf %add3A_246, %get3A_249 : vector<80x128xf32>
      %get3A_251 = arith.constant 2000 : index
      %get3A_252 = arith.constant 0 : index
      %get3A_253 = vector.load %arg4[%get3A_251, %get3A_252] : memref<2560x128xf32, #tpu.memory_space<vmem>>, vector<80x128xf32>
      %add3A_254 = arith.addf %add3A_250, %get3A_253 : vector<80x128xf32>
      %get3A_255 = arith.constant 2080 : index
      %get3A_256 = arith.constant 0 : index
      %get3A_257 = vector.load %arg4[%get3A_255, %get3A_256] : memref<2560x128xf32, #tpu.memory_space<vmem>>, vector<80x128xf32>
      %add3A_258 = arith.addf %add3A_254, %get3A_257 : vector<80x128xf32>
      %get3A_259 = arith.constant 2160 : index
      %get3A_260 = arith.constant 0 : index
      %get3A_261 = vector.load %arg4[%get3A_259, %get3A_260] : memref<2560x128xf32, #tpu.memory_space<vmem>>, vector<80x128xf32>
      %add3A_262 = arith.addf %add3A_258, %get3A_261 : vector<80x128xf32>
      %get3A_263 = arith.constant 2240 : index
      %get3A_264 = arith.constant 0 : index
      %get3A_265 = vector.load %arg4[%get3A_263, %get3A_264] : memref<2560x128xf32, #tpu.memory_space<vmem>>, vector<80x128xf32>
      %add3A_266 = arith.addf %add3A_262, %get3A_265 : vector<80x128xf32>
      %get3A_267 = arith.constant 2320 : index
      %get3A_268 = arith.constant 0 : index
      %get3A_269 = vector.load %arg4[%get3A_267, %get3A_268] : memref<2560x128xf32, #tpu.memory_space<vmem>>, vector<80x128xf32>
      %add3A_270 = arith.addf %add3A_266, %get3A_269 : vector<80x128xf32>
      %get3A_271 = arith.constant 2400 : index
      %get3A_272 = arith.constant 0 : index
      %get3A_273 = vector.load %arg4[%get3A_271, %get3A_272] : memref<2560x128xf32, #tpu.memory_space<vmem>>, vector<80x128xf32>
      %add3A_274 = arith.addf %add3A_270, %get3A_273 : vector<80x128xf32>
      %get3A_275 = arith.constant 2480 : index
      %get3A_276 = arith.constant 0 : index
      %get3A_277 = vector.load %arg4[%get3A_275, %get3A_276] : memref<2560x128xf32, #tpu.memory_space<vmem>>, vector<80x128xf32>
      %add3A_278 = arith.addf %add3A_274, %get3A_277 : vector<80x128xf32>
      %broadcast_in_dim3A_279 = arith.constant 1.000000e+00 : f32
      %broadcast_in_dim3A_280 = vector.broadcast %broadcast_in_dim3A_279 : f32 to vector<32x1xf32>
      %broadcast_in_dim3A_281 = arith.constant 1.000000e+00 : f32
      %broadcast_in_dim3A_282 = vector.broadcast %broadcast_in_dim3A_281 : f32 to vector<1x32xf32>
      %dot_general3A_283 = arith.constant dense<0.000000e+00> : vector<80x1xf32>
      %dot_general3A_284 = tpu.matmul %get3A_148, %broadcast_in_dim3A_280, %dot_general3A_283 {dimension_numbers = #tpu.dot_dimension_numbers<[0], [0], [1], [1], [0, 1, 1, 1], [], []>, precision = #tpu.contract_precision<fp32>, transpose_lhs_hint = false} : vector<32x80xf32>, vector<32x1xf32>, vector<80x1xf32> -> vector<80x1xf32>
      %dot_general3A_285 = arith.constant dense<0.000000e+00> : vector<80x1xf32>
      %dot_general3A_286 = tpu.matmul %get3A_151, %broadcast_in_dim3A_280, %dot_general3A_285 {dimension_numbers = #tpu.dot_dimension_numbers<[0], [0], [1], [1], [0, 1, 1, 1], [], []>, precision = #tpu.contract_precision<fp32>, transpose_lhs_hint = false} : vector<32x80xf32>, vector<32x1xf32>, vector<80x1xf32> -> vector<80x1xf32>
      %dot_general3A_287 = arith.constant dense<0.000000e+00> : vector<1x80xf32>
      %dot_general3A_288 = tpu.matmul %broadcast_in_dim3A_282, %get3A_148, %dot_general3A_287 {dimension_numbers = #tpu.dot_dimension_numbers<[1], [0], [0], [1], [0, 0, 1, 1], [], []>, precision = #tpu.contract_precision<fp32>, transpose_lhs_hint = false} : vector<1x32xf32>, vector<32x80xf32>, vector<1x80xf32> -> vector<1x80xf32>
      %dot_general3A_289 = arith.constant dense<0.000000e+00> : vector<1x80xf32>
      %dot_general3A_290 = tpu.matmul %broadcast_in_dim3A_282, %get3A_151, %dot_general3A_289 {dimension_numbers = #tpu.dot_dimension_numbers<[1], [0], [0], [1], [0, 0, 1, 1], [], []>, precision = #tpu.contract_precision<fp32>, transpose_lhs_hint = false} : vector<1x32xf32>, vector<32x80xf32>, vector<1x80xf32> -> vector<1x80xf32>
      %gt3A_291 = arith.constant 0.000000e+00 : f32
      %gt3A_292 = vector.broadcast %gt3A_291 : f32 to vector<80x1xf32>
      %gt3A_293 = arith.cmpf ogt, %dot_general3A_286, %gt3A_292 : vector<80x1xf32>
      %gt3A_294 = arith.constant 0.000000e+00 : f32
      %gt3A_295 = vector.broadcast %gt3A_294 : f32 to vector<1x80xf32>
      %gt3A_296 = arith.cmpf ogt, %dot_general3A_290, %gt3A_295 : vector<1x80xf32>
      %jit3A_297 = arith.constant 0.000000e+00 : f32
      %broadcast_in_dim3A_298 = vector.broadcast %jit3A_297 : f32 to vector<80x1xf32>
      %select_n3A_299 = arith.select %gt3A_293, %dot_general3A_284, %broadcast_in_dim3A_298 : vector<80x1xi1>, vector<80x1xf32>
      %jit3A_300 = arith.constant 0.000000e+00 : f32
      %broadcast_in_dim3A_301 = vector.broadcast %jit3A_300 : f32 to vector<1x80xf32>
      %select_n3A_302 = arith.select %gt3A_296, %dot_general3A_288, %broadcast_in_dim3A_301 : vector<1x80xi1>, vector<1x80xf32>
      %max3A_303 = arith.constant 1.000000e+00 : f32
      %max3A_304 = vector.broadcast %max3A_303 : f32 to vector<80x1xf32>
      %max3A_305 = arith.maximumf %select_n3A_299, %max3A_304 : vector<80x1xf32>
      %div3A_306 = vector.broadcast %max3A_305 : vector<80x1xf32> to vector<80x128xf32>
      %div3A_307 = arith.divf %add3A_278, %div3A_306 : vector<80x128xf32>
      %mul3A_308 = arith.mulf %div3A_307, %div3A_307 : vector<80x128xf32>
      %reduce_sum3A_309 = arith.constant dense<0.000000e+00> : vector<80xf32>
      %reduce_sum3A_310 = vector.multi_reduction <add>, %mul3A_308, %reduce_sum3A_309 [1] : vector<80x128xf32> to vector<80xf32>
      %broadcast_in_dim3A_311 = vector.shape_cast %reduce_sum3A_310 : vector<80xf32> to vector<80x1xf32>
      %sqrt3A_312 = math.sqrt %broadcast_in_dim3A_311 : vector<80x1xf32>
      %max3A_313 = arith.constant 9.99999996E-13 : f32
      %max3A_314 = vector.broadcast %max3A_313 : f32 to vector<80x1xf32>
      %max3A_315 = arith.maximumf %sqrt3A_312, %max3A_314 : vector<80x1xf32>
      %div3A_316 = arith.constant 1.000000e+00 : f32
      %div3A_317 = vector.broadcast %div3A_316 : f32 to vector<80x1xf32>
      %div3A_318 = arith.divf %div3A_317, %max3A_315 : vector<80x1xf32>
      %mul3A_319 = vector.broadcast %div3A_318 : vector<80x1xf32> to vector<80x128xf32>
      %mul3A_320 = arith.mulf %div3A_307, %mul3A_319 : vector<80x128xf32>
      %mul3A_321 = arith.mulf %broadcast_in_dim3A_311, %div3A_318 : vector<80x1xf32>
      %mul3A_322 = arith.mulf %mul3A_321, %div3A_318 : vector<80x1xf32>
      %dot_general3A_323 = arith.constant dense<0.000000e+00> : vector<80x80xf32>
      %dot_general3A_324 = tpu.matmul %mul3A_320, %mul3A_320, %dot_general3A_323 {dimension_numbers = #tpu.dot_dimension_numbers<[1], [1], [0], [0], [0, 0, 1, 0], [], []>, precision = #tpu.contract_precision<fp32>, transpose_lhs_hint = false} : vector<80x128xf32>, vector<80x128xf32>, vector<80x80xf32> -> vector<80x80xf32>
      %iota3A_325 = tpu.iota {dimensions = array<i32: 0>} : vector<80x80xi32>
      %iota3A_326 = tpu.iota {dimensions = array<i32: 1>} : vector<80x80xi32>
      %eq3A_327 = arith.cmpi eq, %iota3A_325, %iota3A_326 : vector<80x80xi32>
      %jit3A_328 = arith.constant 1.000000e+00 : f32
      %jit3A_329 = arith.constant 0.000000e+00 : f32
      %broadcast_in_dim3A_330 = vector.broadcast %jit3A_328 : f32 to vector<80x80xf32>
      %broadcast_in_dim3A_331 = vector.broadcast %jit3A_329 : f32 to vector<80x80xf32>
      %select_n3A_332 = arith.select %eq3A_327, %broadcast_in_dim3A_330, %broadcast_in_dim3A_331 : vector<80x80xi1>, vector<80x80xf32>
      %mul3A_333 = arith.mulf %dot_general3A_324, %select_n3A_332 : vector<80x80xf32>
      %reduce_sum3A_334 = arith.constant dense<0.000000e+00> : vector<80xf32>
      %reduce_sum3A_335 = vector.multi_reduction <add>, %mul3A_333, %reduce_sum3A_334 [1] : vector<80x80xf32> to vector<80xf32>
      %broadcast_in_dim3A_336 = vector.shape_cast %reduce_sum3A_335 : vector<80xf32> to vector<80x1xf32>
      %mul3A_337 = arith.mulf %dot_general3A_324, %select_n3A_332 : vector<80x80xf32>
      %reduce_sum3A_338 = arith.constant dense<0.000000e+00> : vector<80xf32>
      %reduce_sum3A_339 = vector.multi_reduction <add>, %mul3A_337, %reduce_sum3A_338 [0] : vector<80x80xf32> to vector<80xf32>
      %broadcast_in_dim3A_340 = vector.shape_cast %reduce_sum3A_339 : vector<80xf32> to vector<1x80xf32>
      %add3A_341 = vector.broadcast %broadcast_in_dim3A_336 : vector<80x1xf32> to vector<80x80xf32>
      %add3A_342 = vector.broadcast %broadcast_in_dim3A_340 : vector<1x80xf32> to vector<80x80xf32>
      %add3A_343 = arith.addf %add3A_341, %add3A_342 : vector<80x80xf32>
      %mul3A_344 = arith.constant 2.000000e+00 : f32
      %mul3A_345 = vector.broadcast %mul3A_344 : f32 to vector<80x80xf32>
      %mul3A_346 = arith.mulf %mul3A_345, %dot_general3A_324 : vector<80x80xf32>
      %sub3A_347 = arith.subf %add3A_343, %mul3A_346 : vector<80x80xf32>
      %max3A_348 = arith.constant 9.99999996E-13 : f32
      %max3A_349 = vector.broadcast %max3A_348 : f32 to vector<80x80xf32>
      %max3A_350 = arith.maximumf %sub3A_347, %max3A_349 : vector<80x80xf32>
      %sqrt3A_351 = math.sqrt %max3A_350 : vector<80x80xf32>
      %lt3A = arith.cmpi slt, %iota3A_325, %iota3A_326 : vector<80x80xi32>
      %and3A_352 = vector.broadcast %gt3A_293 : vector<80x1xi1> to vector<80x80xi1>
      %and3A_353 = arith.andi %lt3A, %and3A_352 : vector<80x80xi1>
      %and3A_354 = vector.broadcast %gt3A_296 : vector<1x80xi1> to vector<80x80xi1>
      %and3A_355 = arith.andi %and3A_353, %and3A_354 : vector<80x80xi1>
      %jit3A_356 = arith.constant 1.000000e+00 : f32
      %jit3A_357 = arith.constant 0.000000e+00 : f32
      %broadcast_in_dim3A_358 = vector.broadcast %jit3A_356 : f32 to vector<80x80xf32>
      %broadcast_in_dim3A_359 = vector.broadcast %jit3A_357 : f32 to vector<80x80xf32>
      %select_n3A_360 = arith.select %and3A_355, %broadcast_in_dim3A_358, %broadcast_in_dim3A_359 : vector<80x80xi1>, vector<80x80xf32>
      %reduce_sum3A_361 = vector.shape_cast %select_n3A_360 : vector<80x80xf32> to vector<1x80x80xf32>
      %reduce_sum3A_362 = arith.constant dense<0.000000e+00> : vector<1xf32>
      %reduce_sum3A_363 = vector.multi_reduction <add>, %reduce_sum3A_361, %reduce_sum3A_362 [1, 2] : vector<1x80x80xf32> to vector<1xf32>
      %reduce_sum3A_364 = vector.shape_cast %reduce_sum3A_363 : vector<1xf32> to vector<1x1x1xf32>
      %reduce_sum3A_365 = vector.extract %reduce_sum3A_364[0, 0, 0] : f32 from vector<1x1x1xf32>
      %mul3A_366 = arith.mulf %sqrt3A_351, %select_n3A_360 : vector<80x80xf32>
      %reduce_sum3A_367 = vector.shape_cast %mul3A_366 : vector<80x80xf32> to vector<1x80x80xf32>
      %reduce_sum3A_368 = arith.constant dense<0.000000e+00> : vector<1xf32>
      %reduce_sum3A_369 = vector.multi_reduction <add>, %reduce_sum3A_367, %reduce_sum3A_368 [1, 2] : vector<1x80x80xf32> to vector<1xf32>
      %reduce_sum3A_370 = vector.shape_cast %reduce_sum3A_369 : vector<1xf32> to vector<1x1x1xf32>
      %reduce_sum3A_371 = vector.extract %reduce_sum3A_370[0, 0, 0] : f32 from vector<1x1x1xf32>
      %max3A_372 = arith.constant 1.000000e+00 : f32
      %max3A_373 = arith.maximumf %reduce_sum3A_365, %max3A_372 : f32
      %div3A_374 = arith.divf %reduce_sum3A_371, %max3A_373 : f32
      %swap3A_375 = arith.constant 3 : index
      %swap3A_376 = memref.load %arg10[%swap3A_375] : memref<8xf32, #tpu.memory_space<smem>>
      memref.store %div3A_374, %arg10[%swap3A_375] : memref<8xf32, #tpu.memory_space<smem>>
      %reduce_sum3A_377 = vector.shape_cast %select_n3A_302 : vector<1x80xf32> to vector<1x1x80xf32>
      %reduce_sum3A_378 = arith.constant dense<0.000000e+00> : vector<1xf32>
      %reduce_sum3A_379 = vector.multi_reduction <add>, %reduce_sum3A_377, %reduce_sum3A_378 [1, 2] : vector<1x1x80xf32> to vector<1xf32>
      %reduce_sum3A_380 = vector.shape_cast %reduce_sum3A_379 : vector<1xf32> to vector<1x1x1xf32>
      %reduce_sum3A_381 = vector.extract %reduce_sum3A_380[0, 0, 0] : f32 from vector<1x1x1xf32>
      %swap3A_382 = arith.constant 4 : index
      %swap3A_383 = memref.load %arg10[%swap3A_382] : memref<8xf32, #tpu.memory_space<smem>>
      memref.store %reduce_sum3A_381, %arg10[%swap3A_382] : memref<8xf32, #tpu.memory_space<smem>>
      %jit3A_384 = arith.constant 1.000000e+00 : f32
      %jit3A_385 = arith.constant 0.000000e+00 : f32
      %broadcast_in_dim3A_386 = vector.broadcast %jit3A_384 : f32 to vector<1x80xf32>
      %broadcast_in_dim3A_387 = vector.broadcast %jit3A_385 : f32 to vector<1x80xf32>
      %select_n3A_388 = arith.select %gt3A_296, %broadcast_in_dim3A_386, %broadcast_in_dim3A_387 : vector<1x80xi1>, vector<1x80xf32>
      %reduce_sum3A_389 = vector.shape_cast %select_n3A_388 : vector<1x80xf32> to vector<1x1x80xf32>
      %reduce_sum3A_390 = arith.constant dense<0.000000e+00> : vector<1xf32>
      %reduce_sum3A_391 = vector.multi_reduction <add>, %reduce_sum3A_389, %reduce_sum3A_390 [1, 2] : vector<1x1x80xf32> to vector<1xf32>
      %reduce_sum3A_392 = vector.shape_cast %reduce_sum3A_391 : vector<1xf32> to vector<1x1x1xf32>
      %reduce_sum3A_393 = vector.extract %reduce_sum3A_392[0, 0, 0] : f32 from vector<1x1x1xf32>
      %swap3A_394 = arith.constant 5 : index
      %swap3A_395 = memref.load %arg10[%swap3A_394] : memref<8xf32, #tpu.memory_space<smem>>
      memref.store %reduce_sum3A_393, %arg10[%swap3A_394] : memref<8xf32, #tpu.memory_space<smem>>
      %swap3A_396 = arith.constant 0.000000e+00 : f32
      %swap3A_397 = arith.constant 0 : index
      %swap3A_398 = memref.load %arg10[%swap3A_397] : memref<8xf32, #tpu.memory_space<smem>>
      memref.store %swap3A_396, %arg10[%swap3A_397] : memref<8xf32, #tpu.memory_space<smem>>
      %swap3A_399 = arith.constant 0.000000e+00 : f32
      %swap3A_400 = arith.constant 1 : index
      %swap3A_401 = memref.load %arg10[%swap3A_400] : memref<8xf32, #tpu.memory_space<smem>>
      memref.store %swap3A_399, %arg10[%swap3A_400] : memref<8xf32, #tpu.memory_space<smem>>
      %swap3A_402 = arith.constant 0.000000e+00 : f32
      %swap3A_403 = arith.constant 2 : index
      %swap3A_404 = memref.load %arg10[%swap3A_403] : memref<8xf32, #tpu.memory_space<smem>>
      memref.store %swap3A_402, %arg10[%swap3A_403] : memref<8xf32, #tpu.memory_space<smem>>
      %convert_element_type3A_405 = arith.truncf %mul3A_320 : vector<80x128xf32> to vector<80x128xbf16>
      %swap3A_406 = arith.constant 0 : index
      %swap3A_407 = arith.constant 0 : index
      %swap3A_408 = vector.load %arg8[%swap3A_406, %swap3A_407] : memref<80x128xbf16, #tpu.memory_space<vmem>>, vector<80x128xbf16>
      tpu.vector_store %arg8[%swap3A_406, %swap3A_407], %convert_element_type3A_405 {strides = array<i32>} : memref<80x128xbf16, #tpu.memory_space<vmem>>, vector<80x128xbf16>,
      %jit3A_409 = arith.constant 1.000000e+00 : f32
      %jit3A_410 = arith.constant 0.000000e+00 : f32
      %broadcast_in_dim3A_411 = vector.broadcast %jit3A_409 : f32 to vector<80x1xf32>
      %broadcast_in_dim3A_412 = vector.broadcast %jit3A_410 : f32 to vector<80x1xf32>
      %select_n3A_413 = arith.select %gt3A_293, %broadcast_in_dim3A_411, %broadcast_in_dim3A_412 : vector<80x1xi1>, vector<80x1xf32>
      %jit3A_414 = arith.constant 0.000000e+00 : f32
      %broadcast_in_dim3A_415 = vector.broadcast %jit3A_414 : f32 to vector<80x1xf32>
      %select_n3A_416 = arith.select %gt3A_293, %mul3A_322, %broadcast_in_dim3A_415 : vector<80x1xi1>, vector<80x1xf32>
      %mul3A_417 = arith.constant 1.024000e+03 : f32
      %mul3A_418 = vector.broadcast %mul3A_417 : f32 to vector<80x1xf32>
      %mul3A_419 = arith.mulf %mul3A_418, %select_n3A_413 : vector<80x1xf32>
      %add3A_420 = arith.addf %select_n3A_416, %mul3A_419 : vector<80x1xf32>
      %swap3A_421 = arith.constant 0 : index
      %swap3A_422 = arith.constant 0 : index
      %swap3A_423 = vector.load %arg9[%swap3A_421, %swap3A_422] : memref<80x1xf32, #tpu.memory_space<vmem>>, vector<80x1xf32>
      tpu.vector_store %arg9[%swap3A_421, %swap3A_422], %add3A_420 {strides = array<i32>} : memref<80x1xf32, #tpu.memory_space<vmem>>, vector<80x1xf32>,
    } else {
    }
    %get3A = arith.constant 0 : index
    %get3A_2 = arith.constant 0 : index
    %get3A_3 = vector.load %arg2[%get3A, %get3A_2] : memref<8192x128xf32, #tpu.memory_space<vmem>>, vector<8192x128xf32>
    %convert_element_type3A_4 = arith.truncf %get3A_3 : vector<8192x128xf32> to vector<8192x128xbf16>
    %get3A_5 = arith.constant 0 : index
    %get3A_6 = arith.constant 0 : index
    %get3A_7 = vector.load %arg8[%get3A_5, %get3A_6] : memref<80x128xbf16, #tpu.memory_space<vmem>>, vector<80x128xbf16>
    %dot_general3A = arith.constant dense<0.000000e+00> : vector<80x8192xf32>
    %dot_general3A_8 = tpu.matmul %get3A_7, %convert_element_type3A_4, %dot_general3A {dimension_numbers = #tpu.dot_dimension_numbers<[1], [1], [0], [0], [0, 0, 1, 0], [], []>, transpose_lhs_hint = false} : vector<80x128xbf16>, vector<8192x128xbf16>, vector<80x8192xf32> -> vector<80x8192xf32>
    %broadcast_in_dim3A = arith.constant 1.000000e+00 : bf16
    %broadcast_in_dim3A_9 = vector.broadcast %broadcast_in_dim3A : bf16 to vector<1x128xbf16>
    %mul3A = arith.mulf %convert_element_type3A_4, %convert_element_type3A_4 : vector<8192x128xbf16>
    %dot_general3A_10 = arith.constant dense<0.000000e+00> : vector<1x8192xf32>
    %dot_general3A_11 = tpu.matmul %broadcast_in_dim3A_9, %mul3A, %dot_general3A_10 {dimension_numbers = #tpu.dot_dimension_numbers<[1], [1], [0], [0], [0, 0, 1, 0], [], []>, transpose_lhs_hint = false} : vector<1x128xbf16>, vector<8192x128xbf16>, vector<1x8192xf32> -> vector<1x8192xf32>
    %get3A_12 = arith.constant 0 : index
    %get3A_13 = arith.constant 0 : index
    %get3A_14 = arith.constant 0 : index
    %get3A_15 = vector.load %arg3[%get3A_12, %get3A_13, %get3A_14] : memref<1x1x8192xi32, #tpu.memory_space<vmem>>, vector<1x1x8192xi32>
    %get3A_16 = vector.shape_cast %get3A_15 : vector<1x1x8192xi32> to vector<1x8192xi32>
    %and3A = arith.constant 127 : i32
    %and3A_17 = vector.broadcast %and3A : i32 to vector<1x8192xi32>
    %and3A_18 = arith.andi %get3A_16, %and3A_17 : vector<1x8192xi32>
    %shift_right_logical3A = arith.constant 7 : i32
    %shift_right_logical3A_19 = vector.broadcast %shift_right_logical3A : i32 to vector<1x8192xi32>
    %shift_right_logical3A_20 = arith.shrui %get3A_16, %shift_right_logical3A_19 : vector<1x8192xi32>
    %convert_element_type3A_21 = arith.sitofp %shift_right_logical3A_20 : vector<1x8192xi32> to vector<1x8192xf32>
    %iota3A = tpu.iota {dimensions = array<i32: 0>} : vector<80x8192xi32>
    %eq3A_22 = vector.broadcast %and3A_18 : vector<1x8192xi32> to vector<80x8192xi32>
    %eq3A_23 = arith.cmpi eq, %eq3A_22, %iota3A : vector<80x8192xi32>
    %jit3A = arith.constant 1.000000e+00 : f32
    %jit3A_24 = arith.constant 0.000000e+00 : f32
    %broadcast_in_dim3A_25 = vector.broadcast %jit3A : f32 to vector<80x8192xf32>
    %broadcast_in_dim3A_26 = vector.broadcast %jit3A_24 : f32 to vector<80x8192xf32>
    %select_n3A = arith.select %eq3A_23, %broadcast_in_dim3A_25, %broadcast_in_dim3A_26 : vector<80x8192xi1>, vector<80x8192xf32>
    %sqrt3A = math.sqrt %dot_general3A_11 : vector<1x8192xf32>
    %max3A = arith.constant 9.99999996E-13 : f32
    %max3A_27 = vector.broadcast %max3A : f32 to vector<1x8192xf32>
    %max3A_28 = arith.maximumf %sqrt3A, %max3A_27 : vector<1x8192xf32>
    %div3A = arith.constant 1.000000e+00 : f32
    %div3A_29 = vector.broadcast %div3A : f32 to vector<1x8192xf32>
    %div3A_30 = arith.divf %div3A_29, %max3A_28 : vector<1x8192xf32>
    %mul3A_31 = arith.mulf %dot_general3A_11, %div3A_30 : vector<1x8192xf32>
    %mul3A_32 = arith.mulf %mul3A_31, %div3A_30 : vector<1x8192xf32>
    %get3A_33 = arith.constant 0 : index
    %get3A_34 = arith.constant 0 : index
    %get3A_35 = vector.load %arg9[%get3A_33, %get3A_34] : memref<80x1xf32, #tpu.memory_space<vmem>>, vector<80x1xf32>
    %mul3A_36 = arith.constant 2.000000e+00 : f32
    %mul3A_37 = vector.broadcast %mul3A_36 : f32 to vector<1x8192xf32>
    %mul3A_38 = arith.mulf %mul3A_37, %div3A_30 : vector<1x8192xf32>
    %mul3A_39 = vector.broadcast %mul3A_38 : vector<1x8192xf32> to vector<80x8192xf32>
    %mul3A_40 = arith.mulf %mul3A_39, %dot_general3A_8 : vector<80x8192xf32>
    %sub3A = vector.broadcast %get3A_35 : vector<80x1xf32> to vector<80x8192xf32>
    %sub3A_41 = arith.subf %sub3A, %mul3A_40 : vector<80x8192xf32>
    %mul3A_42 = arith.mulf %select_n3A, %sub3A_41 : vector<80x8192xf32>
    %reduce_sum3A = arith.constant dense<0.000000e+00> : vector<8192xf32>
    %reduce_sum3A_43 = vector.multi_reduction <add>, %mul3A_42, %reduce_sum3A [0] : vector<80x8192xf32> to vector<8192xf32>
    %broadcast_in_dim3A_44 = vector.shape_cast %reduce_sum3A_43 : vector<8192xf32> to vector<1x8192xf32>
    %gt3A = arith.constant 5.120000e+02 : f32
    %gt3A_45 = vector.broadcast %gt3A : f32 to vector<1x8192xf32>
    %gt3A_46 = arith.cmpf ogt, %broadcast_in_dim3A_44, %gt3A_45 : vector<1x8192xf32>
    %add3A = arith.addf %mul3A_32, %broadcast_in_dim3A_44 : vector<1x8192xf32>
    %jit3A_47 = arith.constant 1.000000e+00 : f32
    %jit3A_48 = arith.constant 0.000000e+00 : f32
    %broadcast_in_dim3A_49 = vector.broadcast %jit3A_47 : f32 to vector<1x8192xf32>
    %broadcast_in_dim3A_50 = vector.broadcast %jit3A_48 : f32 to vector<1x8192xf32>
    %select_n3A_51 = arith.select %gt3A_46, %broadcast_in_dim3A_49, %broadcast_in_dim3A_50 : vector<1x8192xi1>, vector<1x8192xf32>
    %mul3A_52 = arith.constant 1.024000e+03 : f32
    %mul3A_53 = vector.broadcast %mul3A_52 : f32 to vector<1x8192xf32>
    %mul3A_54 = arith.mulf %mul3A_53, %select_n3A_51 : vector<1x8192xf32>
    %sub3A_55 = arith.subf %add3A, %mul3A_54 : vector<1x8192xf32>
    %gt3A_56 = arith.constant 0.000000e+00 : f32
    %gt3A_57 = vector.broadcast %gt3A_56 : f32 to vector<1x8192xf32>
    %gt3A_58 = arith.cmpf ogt, %sub3A_55, %gt3A_57 : vector<1x8192xf32>
    %and3A_59 = arith.andi %gt3A_46, %gt3A_58 : vector<1x8192xi1>
    %jit3A_60 = arith.constant 1.000000e+00 : f32
    %jit3A_61 = arith.constant 0.000000e+00 : f32
    %broadcast_in_dim3A_62 = vector.broadcast %jit3A_60 : f32 to vector<1x8192xf32>
    %broadcast_in_dim3A_63 = vector.broadcast %jit3A_61 : f32 to vector<1x8192xf32>
    %select_n3A_64 = arith.select %and3A_59, %broadcast_in_dim3A_62, %broadcast_in_dim3A_63 : vector<1x8192xi1>, vector<1x8192xf32>
    %max3A_65 = arith.constant 0.000000e+00 : f32
    %max3A_66 = vector.broadcast %max3A_65 : f32 to vector<1x8192xf32>
    %max3A_67 = arith.maximumf %sub3A_55, %max3A_66 : vector<1x8192xf32>
    %sqrt3A_68 = math.sqrt %max3A_67 : vector<1x8192xf32>
    %mul3A_69 = arith.mulf %sqrt3A_68, %select_n3A_64 : vector<1x8192xf32>
    %get3A_70 = arith.constant 0 : index
    %get3A_71 = memref.load %arg10[%get3A_70] : memref<8xf32, #tpu.memory_space<smem>>
    %sub3A_72 = arith.constant 2.000000e+00 : f32
    %sub3A_73 = vector.broadcast %sub3A_72 : f32 to vector<1x8192xf32>
    %sub3A_74 = arith.subf %sub3A_73, %convert_element_type3A_21 : vector<1x8192xf32>
    %mul3A_75 = arith.mulf %mul3A_69, %sub3A_74 : vector<1x8192xf32>
    %reduce_sum3A_76 = vector.shape_cast %mul3A_75 : vector<1x8192xf32> to vector<1x1x8192xf32>
    %reduce_sum3A_77 = arith.constant dense<0.000000e+00> : vector<1xf32>
    %reduce_sum3A_78 = vector.multi_reduction <add>, %reduce_sum3A_76, %reduce_sum3A_77 [1, 2] : vector<1x1x8192xf32> to vector<1xf32>
    %reduce_sum3A_79 = vector.shape_cast %reduce_sum3A_78 : vector<1xf32> to vector<1x1x1xf32>
    %reduce_sum3A_80 = vector.extract %reduce_sum3A_79[0, 0, 0] : f32 from vector<1x1x1xf32>
    %add3A_81 = arith.addf %get3A_71, %reduce_sum3A_80 : f32
    %swap3A = arith.constant 0 : index
    %swap3A_82 = memref.load %arg10[%swap3A] : memref<8xf32, #tpu.memory_space<smem>>
    memref.store %add3A_81, %arg10[%swap3A] : memref<8xf32, #tpu.memory_space<smem>>
    %get3A_83 = arith.constant 1 : index
    %get3A_84 = memref.load %arg10[%get3A_83] : memref<8xf32, #tpu.memory_space<smem>>
    %reduce_sum3A_85 = vector.shape_cast %mul3A_69 : vector<1x8192xf32> to vector<1x1x8192xf32>
    %reduce_sum3A_86 = arith.constant dense<0.000000e+00> : vector<1xf32>
    %reduce_sum3A_87 = vector.multi_reduction <add>, %reduce_sum3A_85, %reduce_sum3A_86 [1, 2] : vector<1x1x8192xf32> to vector<1xf32>
    %reduce_sum3A_88 = vector.shape_cast %reduce_sum3A_87 : vector<1xf32> to vector<1x1x1xf32>
    %reduce_sum3A_89 = vector.extract %reduce_sum3A_88[0, 0, 0] : f32 from vector<1x1x1xf32>
    %add3A_90 = arith.addf %get3A_84, %reduce_sum3A_89 : f32
    %swap3A_91 = arith.constant 1 : index
    %swap3A_92 = memref.load %arg10[%swap3A_91] : memref<8xf32, #tpu.memory_space<smem>>
    memref.store %add3A_90, %arg10[%swap3A_91] : memref<8xf32, #tpu.memory_space<smem>>
    %get3A_93 = arith.constant 2 : index
    %get3A_94 = memref.load %arg10[%get3A_93] : memref<8xf32, #tpu.memory_space<smem>>
    %reduce_sum3A_95 = vector.shape_cast %select_n3A_64 : vector<1x8192xf32> to vector<1x1x8192xf32>
    %reduce_sum3A_96 = arith.constant dense<0.000000e+00> : vector<1xf32>
    %reduce_sum3A_97 = vector.multi_reduction <add>, %reduce_sum3A_95, %reduce_sum3A_96 [1, 2] : vector<1x1x8192xf32> to vector<1xf32>
    %reduce_sum3A_98 = vector.shape_cast %reduce_sum3A_97 : vector<1xf32> to vector<1x1x1xf32>
    %reduce_sum3A_99 = vector.extract %reduce_sum3A_98[0, 0, 0] : f32 from vector<1x1x1xf32>
    %add3A_100 = arith.addf %get3A_94, %reduce_sum3A_99 : f32
    %swap3A_101 = arith.constant 2 : index
    %swap3A_102 = memref.load %arg10[%swap3A_101] : memref<8xf32, #tpu.memory_space<smem>>
    memref.store %add3A_100, %arg10[%swap3A_101] : memref<8xf32, #tpu.memory_space<smem>>
    %get3A_103 = arith.constant 2 : index
    %get3A_104 = memref.load %arg10[%get3A_103] : memref<8xf32, #tpu.memory_space<smem>>
    %get3A_105 = arith.constant 0 : index
    %get3A_106 = memref.load %arg10[%get3A_105] : memref<8xf32, #tpu.memory_space<smem>>
    %get3A_107 = arith.constant 2 : index
    %get3A_108 = memref.load %arg1[%get3A_107] : memref<3xf32, #tpu.memory_space<smem>>
    %get3A_109 = arith.constant 1 : index
    %get3A_110 = memref.load %arg10[%get3A_109] : memref<8xf32, #tpu.memory_space<smem>>
    %mul3A_111 = arith.mulf %get3A_108, %get3A_110 : f32
    %add3A_112 = arith.addf %get3A_106, %mul3A_111 : f32
    %max3A_113 = arith.constant 1.000000e+00 : f32
    %max3A_114 = arith.maximumf %get3A_104, %max3A_113 : f32
    %div3A_115 = arith.divf %add3A_112, %max3A_114 : f32
    %gt3A_116 = arith.constant 0.000000e+00 : f32
    %gt3A_117 = arith.cmpf ogt, %get3A_104, %gt3A_116 : f32
    %get3A_118 = arith.constant 1 : index
    %get3A_119 = memref.load %arg1[%get3A_118] : memref<3xf32, #tpu.memory_space<smem>>
    %mul3A_120 = arith.mulf %get3A_119, %div3A_115 : f32
    %get3A_121 = arith.constant 0 : index
    %get3A_122 = memref.load %arg1[%get3A_121] : memref<3xf32, #tpu.memory_space<smem>>
    %get3A_123 = arith.constant 3 : index
    %get3A_124 = memref.load %arg10[%get3A_123] : memref<8xf32, #tpu.memory_space<smem>>
    %mul3A_125 = arith.mulf %get3A_122, %get3A_124 : f32
    %sub3A_126 = arith.subf %mul3A_120, %mul3A_125 : f32
    %get3A_127 = arith.constant 0 : index
    %get3A_128 = memref.load %arg1[%get3A_127] : memref<3xf32, #tpu.memory_space<smem>>
    %neg3A = arith.constant 0.000000e+00 : f32
    %neg3A_129 = arith.subf %neg3A, %get3A_128 : f32
    %get3A_130 = arith.constant 3 : index
    %get3A_131 = memref.load %arg10[%get3A_130] : memref<8xf32, #tpu.memory_space<smem>>
    %mul3A_132 = arith.mulf %neg3A_129, %get3A_131 : f32
    %select_n3A_133 = arith.select %gt3A_117, %sub3A_126, %mul3A_132 : f32
    %get3A_134 = arith.constant 4 : index
    %get3A_135 = memref.load %arg10[%get3A_134] : memref<8xf32, #tpu.memory_space<smem>>
    %gt3A_136 = arith.constant 0.000000e+00 : f32
    %gt3A_137 = arith.cmpf ogt, %get3A_135, %gt3A_136 : f32
    %get3A_138 = arith.constant 5 : index
    %get3A_139 = memref.load %arg10[%get3A_138] : memref<8xf32, #tpu.memory_space<smem>>
    %ge3A = arith.constant 2.000000e+00 : f32
    %ge3A_140 = arith.cmpf oge, %get3A_139, %ge3A : f32
    %and3A_141 = arith.andi %gt3A_137, %ge3A_140 : i1
    %jit3A_142 = arith.constant 0.000000e+00 : f32
    %select_n3A_143 = arith.select %and3A_141, %select_n3A_133, %jit3A_142 : f32
    %swap3A_144 = arith.constant 0 : index
    %swap3A_145 = memref.load %arg7[%swap3A_144] : memref<1xf32, #tpu.memory_space<smem>>
    memref.store %select_n3A_143, %arg7[%swap3A_144] : memref<1xf32, #tpu.memory_space<smem>>
    return
  }
  func.func @transform_0(%arg0: i32) -> i32 {
    %c0_i32 = arith.constant 0 : i32
    %c0_i32_0 = arith.constant 0 : i32
    return %c0_i32 : i32
  }
  func.func @transform_1(%arg0: i32) -> (i32, i32) {
    %c0_i32 = arith.constant 0 : i32
    %c0_i32_0 = arith.constant 0 : i32
    return %arg0, %c0_i32 : i32, i32
  }
  func.func @transform_2(%arg0: i32) -> (i32, i32, i32) {
    %c0_i32 = arith.constant 0 : i32
    %c0_i32_0 = arith.constant 0 : i32
    %c0_i32_1 = arith.constant 0 : i32
    return %arg0, %c0_i32, %c0_i32_0 : i32, i32, i32
  }
  func.func @transform_3(%arg0: i32) -> (i32, i32) {
    %c0_i32 = arith.constant 0 : i32
    %c0_i32_0 = arith.constant 0 : i32
    %c0_i32_1 = arith.constant 0 : i32
    return %c0_i32, %c0_i32_0 : i32, i32
  }
  func.func @transform_4(%arg0: i32) -> (i32, i32) {
    %c0_i32 = arith.constant 0 : i32
    %c0_i32_0 = arith.constant 0 : i32
    %c0_i32_1 = arith.constant 0 : i32
    return %c0_i32, %c0_i32_0 : i32, i32
  }
  func.func @transform_5(%arg0: i32) -> (i32, i32) {
    %c0_i32 = arith.constant 0 : i32
    %c0_i32_0 = arith.constant 0 : i32
    %c0_i32_1 = arith.constant 0 : i32
    return %c0_i32, %c0_i32_0 : i32, i32
  }
  func.func @transform_6(%arg0: i32) -> i32 {
    %c0_i32 = arith.constant 0 : i32
    %c0_i32_0 = arith.constant 0 : i32
    return %c0_i32 : i32
  }
}

</mosaic_0001>

<sc_bundles>
// kernel: kernel.4.cloned.1.call-start
scs
__scs_entry_jumppad:
0x0: {  	(pc) =	sbr.rel $0x88, $3  }
0x1: {  	(tag) =	ssettag $0x0;
	lr =	simm.s32 $0x1  }
0x2: {  	[smem:$0x3F9B] =	sst lr;
	_ =	strace $0xD0000000  }
0x3: {  	_ = 	snop  }
0x4: {  	_ = 	snop  }
0x5: {  	_ = 	snop  }
0x6: {  	_ = 	snop  }
0x7: {  	_ = 	snop  }
__scs_overlays_trampoline_lowered:
0x8: {  	[smem:$0x3FAA] =	sst s0  }
0x9: {  	[smem:$0x3FAB] =	sst s1  }
0xa: {  	[smem:$0x3FAC] =	sst s2  }
0xb: {  	[smem:$0x3FAD] =	sst s3  }
0xc: {  	[smem:$0x3FAE] =	sst s4  }
0xd: {  	[smem:$0x3FAF] =	sst s5  }
0xe: {  	[smem:$0x3FB0] =	sst s6  }
0xf: {  	[smem:$0x3FB1] =	sst s7  }
0x10: {  	[smem:$0x3FB2] =	sst s8  }
0x11: {  	[smem:$0x3FB3] =	sst s9;
	s0 =	simm.s32 @!p0 $0x0  }
0x12: {  	s1 =	sld [smem:$0x3F99];
	s0 =	simm.s32 @p0 $0x1  }
0x13: {  	[smem:$0x3FB4] =	sst s0;
	s0 =	simm.s32 @!p1 $0x0  }
0x14: {  	s2 =	sld [smem:$0x3F98];
	s0 =	simm.s32 @p1 $0x1  }
0x15: {  	[smem:$0x3FB5] =	sst s0;
	s0 =	simm.s32 @!p2 $0x0  }
0x16: {  	s3 =	sld [smem:$0x3FDB];
	s0 =	simm.s32 @p2 $0x1  }
0x17: {  	s4 =	simm.s32 $0x1BF5;
	[smem:$0x3FB7] =	sst s0  }
0x18: {  	s0 =	sld [smem:$0x3F9A];
	_ =	swait.ge [sflag:s4], $0x0  }
0x19: {  	s7 =	sld [smem:$0x3F9B]  }
0x1a: {  	s8 =	sadd.s32 $0xFFFFE003, lr  }
0x1b: {  	s9 =	sadd.s32 $0xFFFFFEF7, lr;
	s5 =	simm.s32 $0xFFFFFFFF;
	p2 =	slt.u32 s8, $0xFFFFF086  }
0x1c: {  	p1 =	slt.u32 s9, $0xF7A;
	s5 =	simm.s32 @!p2 $0x0  }
0x1d: {  	s5 =	simm.s32 @p1 $0x1;
	p0 =	seq.s32 s7, s2  }
0x1e: {  	s7 =	smul.u32 @!p0 $0xF7A, s2;
	p2 =	seq.s32 @!p0 s5, $0x0  }
0x1f: {  	s9 =	smul.u32 $0xF7A, s1;
	s8 =	simm.s32 @!p0 $0x1BF5;
	p2 =	por !p2, p0  }
0x20: {  	[sflag:s8] =	ssyncset.s32 @!p0 $0xFFFFF086;
	s6 =	sadd.s32 @!p0 s3, s7;
	s7 =	simm.s32 @!p0 $0x108  }
0x21: {  	s3 =	sadd.s32 s3, s9;
	s6 =	sadd.s32 @!p0 $0x88, s6;
	s7 =	simm.s32 @p2 $0x1082  }
0x22: {  	[simem:s7], [sflag:s8] =	dma.local @!p0 [hbm:s6], $0xF7A  }
0x23: {  	s9 =	sor.u32 $0xD0000000, s2;
	s6 =	simm.s32 $0x108;
	_ =	swait.ge @!p0 [sflag:s8], $0x0  }
0x24: {  	s3 =	sadd.s32 $0x88, s3;
	s6 =	simm.s32 @!p1 $0x1082;
	[sflag:s4] =	ssyncset.s32 $0xFFFFF086  }
0x25: {  	[simem:s6], [sflag:s4] =	dma.local [hbm:s3], $0xF7A  }
0x26: {  	[smem:$0x3F9B] =	sst s1;
	(tag) =	ssettag s2;
	_ =	strace s9  }
0x27: {  	s1 =	sld [smem:$0x3FAB]  }
0x28: {  	s2 =	sld [smem:$0x3FAC]  }
0x29: {  	s4 =	sld [smem:$0x3FAE]  }
0x2a: {  	p0 =	seq.s32 s5, $0x0;
	s5 =	sld [smem:$0x3FAF]  }
0x2b: {  	s6 =	sld [smem:$0x3FB0]  }
0x2c: {  	s7 =	sld [smem:$0x3FB1]  }
0x2d: {  	s3 =	simm.s32 $0x108;
	s8 =	sld [smem:$0x3FB2]  }
0x2e: {  	s3 =	simm.s32 @!p0 $0x1082;
	s9 =	sld [smem:$0x3FB3]  }
0x2f: {  	lr =	sadd.s32 s0, s3;
	s0 =	sld [smem:$0x3FAA]  }
0x30: {  	s3 =	sld [smem:$0x3FAD]  }
0x31: {  	[smem:$0x3FB6] =	sst s10  }
0x32: {  	s10 =	sld [smem:$0x3FB4];
	_ =	sdelay $0x3  }
0x33: {  	p0 =	seq.s32 s10, $0x1;
	s10 =	sld [smem:$0x3FB6];
	_ =	sdelay $0x3  }
0x34: {  	[smem:$0x3FB6] =	sst s10  }
0x35: {  	s10 =	sld [smem:$0x3FB5];
	_ =	sdelay $0x3  }
0x36: {  	p1 =	seq.s32 s10, $0x1;
	s10 =	sld [smem:$0x3FB6];
	_ =	sdelay $0x3  }
0x37: {  	[smem:$0x3FB6] =	sst s10  }
0x38: {  	s10 =	sld [smem:$0x3FB7]  }
0x39: {  	_ = 	snop;
	(pc) =	sbr.ind lr, $3  }
0x3a: {  	_ = 	snop  }
0x3b: {  	_ = 	snop  }
0x3c: {  	p2 =	seq.s32 s10, $0x1;
	s10 =	sld [smem:$0x3FB6]  }
0x3d: {  	_ =	shalt  }
0x3e: {  	_ =	shalt  }
0x3f: {  	_ =	shalt  }
0x40: {  	_ =	shalt  }
0x41: {  	_ =	shalt  }
0x42: {  	_ =	shalt  }
0x43: {  	_ =	shalt  }
0x44: {  	_ =	shalt  }
0x45: {  	_ =	shalt  }
0x46: {  	_ =	shalt  }
0x47: {  	_ =	shalt  }
0x48: {  	_ =	shalt  }
0x49: {  	_ =	shalt  }
0x4a: {  	_ =	shalt  }
0x4b: {  	_ =	shalt  }
0x4c: {  	_ =	shalt  }
0x4d: {  	_ =	shalt  }
0x4e: {  	_ =	shalt  }
0x4f: {  	_ =	shalt  }
0x50: {  	_ =	shalt  }
0x51: {  	_ =	shalt  }
0x52: {  	_ =	shalt  }
0x53: {  	_ =	shalt  }
0x54: {  	_ =	shalt  }
0x55: {  	_ =	shalt  }
0x56: {  	_ =	shalt  }
0x57: {  	_ =	shalt  }
0x58: {  	_ =	shalt  }
0x59: {  	_ =	shalt  }
0x5a: {  	_ =	shalt  }
0x5b: {  	_ =	shalt  }
0x5c: {  	_ =	shalt  }
0x5d: {  	_ =	shalt  }
0x5e: {  	_ =	shalt  }
0x5f: {  	_ =	shalt  }
0x60: {  	_ =	shalt  }
0x61: {  	_ =	shalt  }
0x62: {  	_ =	shalt  }
0x63: {  	_ =	shalt  }
0x64: {  	_ =	shalt  }
0x65: {  	_ =	shalt  }
0x66: {  	_ =	shalt  }
0x67: {  	_ =	shalt  }
0x68: {  	_ =	shalt  }
0x69: {  	_ =	shalt  }
0x6a: {  	_ =	shalt  }
0x6b: {  	_ =	shalt  }
0x6c: {  	_ =	shalt  }
0x6d: {  	_ =	shalt  }
0x6e: {  	_ =	shalt  }
0x6f: {  	_ =	shalt  }
0x70: {  	_ =	shalt  }
0x71: {  	_ =	shalt  }
0x72: {  	_ =	shalt  }
0x73: {  	_ =	shalt  }
0x74: {  	_ =	shalt  }
0x75: {  	_ =	shalt  }
0x76: {  	_ =	shalt  }
0x77: {  	_ =	shalt  }
0x78: {  	_ =	shalt  }
0x79: {  	_ =	shalt  }
0x7a: {  	_ =	shalt  }
0x7b: {  	_ =	shalt  }
0x7c: {  	_ =	shalt  }
0x7d: {  	_ =	shalt  }
0x7e: {  	_ =	shalt  }
0x7f: {  	_ =	shalt  }
0x80: {  	_ =	shalt  }
0x81: {  	_ =	shalt  }
0x82: {  	_ =	shalt  }
0x83: {  	_ =	shalt  }
0x84: {  	_ =	shalt  }
0x85: {  	_ =	shalt  }
0x86: {  	_ =	shalt  }
0x87: {  	_ =	shalt  }
.Lfunc_end0:
.L_simem_size_0:
called_computation_lowered:
.L_overlay_start_0:
0x88: {  	s2 =	sld [smem:$0x3FD9]  }
0x89: {  	s3 =	sld [smem:$0x3FFE];
	_ =	sdelay $0x1  }
0x8a: {  	s1 =	srdreg.scid  }
0x8b: {  	s0 =	sand.u32 $0x1, s1  }
0x8c: {  	s17 =	sshll.u32 s0, $0xA;
	s2 =	sadd.s32 s3, s2  }
0x8d: {  	s2 =	sadd.s32 s2, s17  }
0x8e: {  	[smem:$0x3FC2] =	sst s2  }
0x8f: {  	_ = 	snop  }
0x90: {  	s2 =	sld [smem:$0x3FC9];
	(tm) =	ssettm $0x1  }
0x91: {  	s18 =	sld [smem:$0x3FFB];
	_ =	sdelay $0x3  }
0x92: {  	_ =	strace s18  }
0x93: {  	s3 =	sld [smem:$0x3FFC];
	_ =	sdelay $0x3  }
0x94: {  	_ =	strace s3  }
0x95: {  	s3 =	sld [smem:$0x3FFD];
	_ =	sdelay $0x3  }
0x96: {  	_ =	strace s3  }
0x97: {  	_ =	strace $0x8FFFFFFF  }
0x98: {  	s19 =	sld [smem:$0x3FDB];
	_ =	sdelay $0x1  }
0x99: {  	s4 =	simm.s32 $_scs_section_size  }
0x9a: {  	s5 =	simm.s32 $_size__tile_overlayer_lowered;
	s6 =	simm.s32 $_tile_overlayer_lowered  }
0x9b: {  	s22 =	simm.s32 $0x1BFF;
	s21 =	sshll.u32 s6, $0x1;
	s3 =	sadd.s32 s4, s19  }
0x9c: {  	s7 =	simm.s32 $0x0;
	s20 =	sshll.u32 s5, $0x1;
	s5 =	sadd.s32 s21, s3  }
0x9d: {  	[timem:s7], [sflag:s22] =	dma.local [hbm:s5], s20  }
0x9e: {  	_ =	swait.ge [sflag:s22], s20  }
0x9f: {  	s4 =	ssub.s32 $0x0, s20;
	[sflag:s22] =	ssyncset.done $0x0  }
0xa0: {  	[sflag:s22] =	ssyncadd.s32 s4;
	_ =	sdelay $0x1  }
0xa1: {  	s23 =	simm.s32 $0x1B8B  }
0xa2: {  	_ =	swait.ge [sflag:s23], $0x1  }
0xa3: {  	[sflag:s23] =	ssyncset.done $0x0  }
0xa4: {  	s25 =	simm.s32 $0x1B8E;
	s24 =	sld [smem:$0x3FFE];
	[sflag:s23] =	ssyncadd.s32 $0xFFFFFFFF  }
0xa5: {  	s26 =	simm.s32 $execute0_lowered;
	[smem:$0x3FD2] =	sst s25  }
0xa6: {  	s5 =	sshll.u32 s26, $0x1;
	_ =	strace $0x80000046;
	[dreg:$0x1] =	wrdreg $0xFFFFFFFF  }
0xa7: {  	s28 =	simm.s32 $_size_execute0_lowered;
	s3 =	sadd.s32 s3, s5;
	[dreg:$0x0] =	wrdreg $0x0  }
0xa8: {  	s5 =	sshll.u32 s28, $0x1;
	[dreg:$0x2] =	wrdreg s3  }
0xa9: {  	[dreg:$0x3] =	wrdreg s5  }
0xaa: {  	[dreg:$0x4] =	wrdreg $0xC0  }
0xab: {  	_ =	task [dreg:s7], $0x5FFFF  }
0xac: {  	[dreg:$0x1] =	wrdreg $0xFFFFFFFF  }
0xad: {  	[dreg:$0x0] =	wrdreg $0x60  }
0xae: {  	[dreg:$0x2] =	wrdreg s2  }
0xaf: {  	[dreg:$0x3] =	wrdreg s24  }
0xb0: {  	[dreg:$0x4] =	wrdreg $0x9  }
0xb1: {  	_ =	task.clear_ibuf [dreg:s7], $0x5FFFF;
	_ =	strace $0x90000046  }
0xb2: {  	s29 =	simm.s32 $0x9;
	_ =	strace $0x80000048  }
0xb3: {  	_ =	swait.ge [sflag:s29], $0x1  }
0xb4: {  	[sflag:s29] =	ssyncadd.s32 $0xFFFFFFFF  }
0xb5: {  	_ =	strace $0x90000048  }
0xb6: {  	_ =	sfence  }
0xb7: {  	s30 =	sld [smem:$0x0];
	_ =	sdelay $0x2  }
0xb8: {  	s31 =	sshll.u32 s1, $0xD;
	s1 =	sshrl.u32 s1, $0x2  }
0xb9: {  	s3 =	sand.u32 $0x4000, s31;
	s1 =	sadd.s32 s1, s30  }
0xba: {  	s0 =	sor.u32 s3, s0;
	s1 =	sshll.u32 s1, $0x11  }
0xbb: {  	s0 =	sor.u32 s1, s0  }
0xbc: {  	s0 =	sadd.s32 $0x8F2B, s0  }
0xbd: {  	[sflag:s0] =	ssyncadd.remote.s32 $0x1  }
0xbe: {  	_ =	sfence.sel $0xFFFF  }
0xbf: {  	[dreg:$0x0] =	wrdreg $0xFFFFFFFF;
	(pc) =	sbr.abs _section_cstart, $3  }
0xc0: {  	[dreg:$0x1] =	wrdreg $0xFFFFFFFF  }
0xc1: {  	_ =	task.clear_ibuf [dreg:s7], $0x2FFFF;
	_ =	strace $0x9FFFFFFF  }
0xc2: {  	(tm) =	ssettm $0x7FFFFFFF  }
0xc3: {  	_ =	shalt  }
tec
execute0_lowered:
.L_overlay_start_1:
0x0: {  	(tag) =	ssettag $0x1  }
0x1: {  	s2 =	rddreg [dreg:$0x0];
	s1 =	srdreg.scid  }
0x2: {  	s0 =	stileid.u32;
	s4 =	rddreg [dreg:$0x1];
	s3 =	simm.s32 $0x0  }
0x3: {  	s13 =	simm.s32 $0x10000;
	s14 =	simm.s32 $0x3;
	s15 =	simm.s32 $0x10800  }
0x4: {  	s16 =	simm.s32 $0x13800;
	s17 =	simm.s32 $0x13D00;
	s18 =	simm.s32 $0x1  }
0x5: {  	s19 =	simm.s32 $0x8000;
	s20 =	simm.s32 $0x11000;
	s21 =	simm.s32 $0x2  }
0x6: {  	s22 =	simm.s32 $0x14200;
	s23 =	simm.s32 $0x14280;
	s24 =	simm.s32 $0x0  }
0x7: {  	s5 =	sand.u32 $0x1, s1;
	s6 =	sshll.u32 s0, $0x1;
	[smem:$0x7FF] =	sst s3  }
0x8: {  	s7 =	sor.u32 s5, s6;
	_ =	strace $0x80000047;
	s5 =	ssub.s32 $0x2, s5  }
0x9: {  	s6 =	sshll.u32 s7, $0x8;
	s8 =	smul.u32 $0x500, s7;
	s31 =	sshll.u32 s7, $0x4  }
0xa: {  	s10 =	sshrl.u32 s5, $0x1;
	s6 =	sadd.s32 s6, s4;
	s11 =	sadd.s32 s31, s4  }
0xb: {  	s12 =	ssub.s32 s5, s10;
	s9 =	sadd.s32 s8, s4;
	s4 =	sshll.u32 s7, $0xB  }
0xc: {  	s5 =	sadd.s32 $0x3200, s6;
	s6 =	sadd.s32 $0x1200, s6;
	s7 =	sshll.u32 s7, $0xF  }
0xd: {  	v1 =	vlaneseq.u32;
	s10 =	sadd.s32 $0xF200, s11;
	s11 =	sadd.s32 $0xF400, s11;
	s12 =	smax.u32 s12, $0x1  }
0xe: {  	v0 =	vimm.f32 $0.0e+00;
	v1 =	vmul.u32 $0x50, v1;
	s7 =	sadd.s32 s2, s7;
	s8 =	sor.u32 $0x200, s4;
	s9 =	sadd.s32 $0x5200, s9  }
.LBB2_1:
0xf: {  	s25 =	simm.s32 $0x0  }
.LBB2_2:
0x10: {  	p0 =	sne.s32 s25, $0x9FC0  }
.Ltmp0:
0x11: {  	_ = 	snop;
	(pc) =	sbr.rel @p0 .LBB2_2-.Ltmp0, $3  }
0x12: {  	_ =	sdelay $0x1  }
0x13: {  	s26 =	sshra.s32 s25, $0x2  }
0x14: {  	s25 =	sadd.s32 $0x40, s25;
	[tilespmem:s26+$0x11000] =	vst v0  }
0x15: {  	s25 =	simm.s32 $0x40;
	s26 =	simm.s32 $0x0  }
.LBB2_4:
0x16: {  	p0 =	sne.s32 s25, $0x13C0;
	[tilespmem:s26+$0x13800] =	vst v0;
	s28 =	smov.u32 s25;
	s25 =	sadd.s32 $0x40, s25  }
.Ltmp1:
0x17: {  	[tilespmem:s26+$0x13D00] =	vst v0;
	(pc) =	sbr.rel @p0 .LBB2_4-.Ltmp1, $2  }
0x18: {  	_ =	sdelay $0x2  }
0x19: {  	s26 =	sshra.s32 s28, $0x2  }
0x1a: {  	[tilespmem:s26+$0x13800] =	vst v0  }
0x1b: {  	[tilespmem:s26+$0x13D00] =	vst v0;
	s25 =	simm.s32 $0x0  }
0x1c: {  	[tilespmem:s13], [sflag:$0x3] =	stream.linear.gather [hbm4b:s5+s25], $0x800, $0x38;
	[tilespmem:$0x14300] =	vst v63  }
0x1d: {  	_ =	swait.ge [sflag:s14], $0x800  }
0x1e: {  	[sflag:s14] =	ssyncset.done $0x0  }
0x1f: {  	[sflag:s14] =	ssyncadd.s32 $0xFFFFF800  }
0x20: {  	[tilespmem:s15], [sflag:$0x3] =	stream.linear.gather [hbm4b:s6+s25], $0x800, $0x38;
	[tilespmem:$0x14300] =	vst v63  }
0x21: {  	_ =	swait.ge [sflag:s14], $0x800  }
0x22: {  	[sflag:s14] =	ssyncset.done $0x0  }
0x23: {  	s26 =	simm.s32 $0x0;
	[sflag:s14] =	ssyncadd.s32 $0xFFFFF800  }
0x24: {  	s25 =	simm.s32 $0x40;
	v2 =	vld [tilespmem:s26+$0x10000]  }
.LBB2_6:
0x25: {  	p0 =	sne.s32 s25, $0x1FC0;
	_ =	sdelay $0x1  }
0x26: {  	v3 =	vld [tilespmem:s26+$0x10800];
	_ =	sdelay $0x1  }
0x27: {  	v2 =	vadd.s32 v1, v2;
	_ =	sdelay $0x2  }
.Ltmp2:
0x28: {  	vm0 =	vge.f32 v3, $0.0e+00;
	vm1 =	veq.f32 v3, $2.000000000e+00;
	(pc) =	sbr.rel @p0 .LBB2_6-.Ltmp2, $4  }
0x29: {  	v3 =	vsel vm0, $0x3F800000, v0  }
0x2a: {  	v4 =	vsel vm1, $0x3F800000, v0;
	[tilespmem:v2+s16+$0x0] =	vst.idx.add.f32.msk $0xffff, v3  }
0x2b: {  	s26 =	sshra.s32 s25, $0x2;
	[tilespmem:v2+s17+$0x0] =	vst.idx.add.f32.msk $0xffff, v4  }
0x2c: {  	s25 =	sadd.s32 $0x40, s25;
	v2 =	vld [tilespmem:s26+$0x10000]  }
0x2d: {  	_ =	sdelay $0x1  }
0x2e: {  	v3 =	vld [tilespmem:s26+$0x10800];
	_ =	sdelay $0x1  }
0x2f: {  	v2 =	vadd.s32 v1, v2;
	_ =	sdelay $0x2  }
0x30: {  	vm0 =	vge.f32 v3, $0.0e+00  }
0x31: {  	vm1 =	veq.f32 v3, $2.000000000e+00;
	v3 =	vsel vm0, $0x3F800000, v0  }
0x32: {  	v4 =	vsel vm1, $0x3F800000, v0;
	[tilespmem:v2+s16+$0x0] =	vst.idx.add.f32.msk $0xffff, v3  }
0x33: {  	s25 =	simm.s32 $0x0;
	s26 =	simm.s32 $0x0;
	[tilespmem:v2+s17+$0x0] =	vst.idx.add.f32.msk $0xffff, v4  }
0x34: {  	[tilespmem:s25], [sflag:$0x1] =	stream.linear.gather [hbm4b:s7+s25], $0x8000, $0x38;
	[tilespmem:$0x14300] =	vst v63  }
.LBB2_8:
0x35: {  	s29 =	sshll.u32 s26, $0x9  }
0x36: {  	s28 =	sor.u32 $0x100, s29  }
0x37: {  	s30 =	sadd.s32 s4, s28  }
0x38: {  	_ =	swait.ge [sflag:s18], $0x8000;
	s30 =	sshll.u32 s30, $0x4  }
0x39: {  	[sflag:s18] =	ssyncset.done $0x0;
	s30 =	sand.u32 $0x1FFFF000, s30  }
0x3a: {  	[sflag:s18] =	ssyncadd.s32 $0xFFFF8000;
	s30 =	sadd.s32 s2, s30  }
0x3b: {  	[tilespmem:s19], [sflag:$0x2] =	stream.linear.gather [hbm4b:s30+s25], $0x8000, $0x38;
	[tilespmem:$0x14300] =	vst v63  }
0x3c: {  	s30 =	simm.s32 $0x0  }
.LBB2_9:
0x3d: {  	s31 =	sshll.u32 s30, $0x5;
	v11 =	vlaneseq.u32  }
0x3e: {  	s1 =	sor.u32 s29, s31;
	v2 =	vmov s31;
	v3 =	vmul.u32 $0x80, v11  }
0x3f: {  	v5 =	vadd.s32 $0x1, v11;
	v4 =	vld [tilespmem:s1+$0x10000];
	v2 =	vshll.u32 v2, $0x7  }
0x40: {  	v6 =	vld [tilespmem:s1+$0x10800];
	v12 =	vand.u32 $0x7F, v5;
	v2 =	vor.u32 v3, v2;
	v3 =	vadd.s32 $0x2, v11  }
0x41: {  	v5 =	vadd.s32 $0x3, v11;
	v7 =	vor.u32 v2, v12;
	v13 =	vand.u32 $0x7F, v3  }
0x42: {  	v14 =	vand.u32 $0x7F, v5;
	v5 =	vor.u32 v2, v13  }
0x43: {  	s31 =	sand.u32 $0x6E0, s31;
	s1 =	sand.u32 $0x680, s29;
	v8 =	vor.u32 v2, v14  }
0x44: {  	s1 =	sor.u32 s1, s31  }
0x45: {  	v10 =	vld [tilespmem:s1+$0x10010];
	v3 =	vshll.u32 v4, $0x7;
	vm0 =	vge.f32 v6, $0.0e+00;
	v6 =	vor.u32 v2, v11  }
0x46: {  	v9 =	vor.u32 v3, v12;
	v7 =	vld.idx.msk [tilespmem:v7+s3+$0x0], $0xffff  }
0x47: {  	v15 =	vor.u32 v3, v13;
	v5 =	vld.idx.msk [tilespmem:v5+s3+$0x0], $0xffff  }
0x48: {  	v4 =	vor.u32 $0x800, v2;
	v16 =	vor.u32 v3, v14;
	v8 =	vld.idx.msk [tilespmem:v8+s3+$0x0], $0xffff  }
0x49: {  	v17 =	vld [tilespmem:s1+$0x10810];
	v20 =	vor.u32 v4, v12  }
0x4a: {  	v18 =	vor.u32 v4, v13;
	v19 =	vld.idx.msk [tilespmem:v6+s3+$0x0], $0xffff  }
0x4b: {  	v21 =	vor.u32 v3, v11;
	v6 =	vadd.s32 $0x4, v11;
	[tilespmem:v9+s20+$0x0] =	vst.idx.add.f32.msk vm0, v7  }
0x4c: {  	[tilespmem:v15+s20+$0x0] =	vst.idx.add.f32.msk vm0, v5;
	v15 =	vor.u32 v4, v11;
	v5 =	vand.u32 $0x7F, v6  }
0x4d: {  	[tilespmem:v16+s20+$0x0] =	vst.idx.add.f32.msk vm0, v8;
	v16 =	vor.u32 v2, v5;
	v6 =	vadd.s32 $0x1, v5  }
0x4e: {  	v22 =	vor.u32 v4, v14;
	v20 =	vld.idx.msk [tilespmem:v20+s3+$0x0], $0xffff;
	v7 =	vadd.s32 $0x2, v5;
	v6 =	vand.u32 $0x7F, v6  }
0x4f: {  	v18 =	vld.idx.msk [tilespmem:v18+s3+$0x0], $0xffff;
	v8 =	vadd.s32 $0x3, v5;
	v9 =	vand.u32 $0x7F, v7;
	v23 =	vor.u32 v2, v6  }
0x50: {  	v7 =	vand.u32 $0x7F, v8;
	[tilespmem:v21+s20+$0x0] =	vst.idx.add.f32.msk vm0, v19;
	v24 =	vor.u32 v2, v9  }
0x51: {  	vm1 =	vge.f32 v17, $0.0e+00;
	v8 =	vshll.u32 v10, $0x7;
	v17 =	vor.u32 v2, v7;
	v15 =	vld.idx.msk [tilespmem:v15+s3+$0x0], $0xffff  }
0x52: {  	v13 =	vor.u32 v8, v13;
	v10 =	vld.idx.msk [tilespmem:v16+s3+$0x0], $0xffff  }
0x53: {  	v12 =	vor.u32 v8, v12;
	v16 =	vor.u32 v8, v11;
	v11 =	vld.idx.msk [tilespmem:v22+s3+$0x0], $0xffff  }
0x54: {  	v19 =	vld.idx.msk [tilespmem:v23+s3+$0x0], $0xffff  }
0x55: {  	v60 =	vor.u32 v3, v6;
	v61 =	vld.idx.msk [tilespmem:v24+s3+$0x0], $0xffff  }
0x56: {  	v62 =	vor.u32 v3, v9;
	v63 =	vld.idx.msk [tilespmem:v17+s3+$0x0], $0xffff  }
0x57: {  	v25 =	vor.u32 v3, v7;
	[tilespmem:v13+s20+$0x0] =	vst.idx.add.f32.msk vm1, v18  }
0x58: {  	[tilespmem:v12+s20+$0x0] =	vst.idx.add.f32.msk vm1, v20;
	v13 =	vor.u32 v8, v14  }
0x59: {  	v14 =	vor.u32 v4, v9;
	[tilespmem:v16+s20+$0x0] =	vst.idx.add.f32.msk vm1, v15  }
0x5a: {  	v15 =	vor.u32 v4, v6;
	[tilespmem:v60+s20+$0x0] =	vst.idx.add.f32.msk vm0, v19  }
0x5b: {  	v17 =	vor.u32 v3, v5;
	v12 =	vadd.s32 $0x4, v5;
	[tilespmem:v62+s20+$0x0] =	vst.idx.add.f32.msk vm0, v61  }
0x5c: {  	s31 =	simm.s32 $0x4;
	v18 =	vor.u32 v4, v5;
	v12 =	vand.u32 $0x7F, v12;
	v16 =	vor.u32 v4, v7;
	[tilespmem:v25+s20+$0x0] =	vst.idx.add.f32.msk vm0, v63  }
.LBB2_10:
0x5d: {  	v19 =	vor.u32 v2, v12;
	v20 =	vadd.s32 $0x1, v12;
	v21 =	vadd.s32 $0x3, v12;
	s31 =	sadd.s32 $0x4, s31;
	[tilespmem:v13+s20+$0x0] =	vst.idx.add.f32.msk vm1, v11  }
0x5e: {  	v11 =	vadd.s32 $0x2, v12;
	v13 =	vand.u32 $0x7F, v20;
	v20 =	vand.u32 $0x7F, v21;
	p0 =	slt.u32 s31, $0x7C;
	v14 =	vld.idx.msk [tilespmem:v14+s3+$0x0], $0xffff  }
0x5f: {  	v22 =	vand.u32 $0x7F, v11;
	v21 =	vor.u32 v2, v13;
	v15 =	vld.idx.msk [tilespmem:v15+s3+$0x0], $0xffff  }
0x60: {  	v23 =	vor.u32 v2, v22;
	[tilespmem:v17+s20+$0x0] =	vst.idx.add.f32.msk vm0, v10  }
0x61: {  	v17 =	vor.u32 v2, v20;
	v18 =	vld.idx.msk [tilespmem:v18+s3+$0x0], $0xffff  }
0x62: {  	v10 =	vld.idx.msk [tilespmem:v19+s3+$0x0], $0xffff;
	v19 =	vor.u32 v8, v5;
	v5 =	vmov v12  }
0x63: {  	v24 =	vor.u32 v8, v9;
	v9 =	vmov v22;
	v11 =	vld.idx.msk [tilespmem:v16+s3+$0x0], $0xffff  }
0x64: {  	v16 =	vld.idx.msk [tilespmem:v21+s3+$0x0], $0xffff;
	v21 =	vor.u32 v8, v6;
	v6 =	vmov v13  }
0x65: {  	v22 =	vor.u32 v3, v6;
	v23 =	vld.idx.msk [tilespmem:v23+s3+$0x0], $0xffff  }
0x66: {  	v25 =	vor.u32 v3, v9;
	v26 =	vld.idx.msk [tilespmem:v17+s3+$0x0], $0xffff  }
0x67: {  	v27 =	vor.u32 v3, v20;
	[tilespmem:v19+s20+$0x0] =	vst.idx.add.f32.msk vm1, v18  }
.Ltmp3:
0x68: {  	v13 =	vor.u32 v8, v7;
	v7 =	vmov v20;
	[tilespmem:v24+s20+$0x0] =	vst.idx.add.f32.msk vm1, v14;
	(pc) =	sbr.rel @p0 .LBB2_10-.Ltmp3, $4  }
0x69: {  	v14 =	vor.u32 v4, v9;
	[tilespmem:v21+s20+$0x0] =	vst.idx.add.f32.msk vm1, v15  }
0x6a: {  	v15 =	vor.u32 v4, v6;
	[tilespmem:v22+s20+$0x0] =	vst.idx.add.f32.msk vm0, v16  }
0x6b: {  	v17 =	vor.u32 v3, v12;
	v12 =	vadd.s32 $0x4, v12;
	[tilespmem:v25+s20+$0x0] =	vst.idx.add.f32.msk vm0, v23  }
0x6c: {  	v18 =	vor.u32 v4, v5;
	v12 =	vand.u32 $0x7F, v12;
	v16 =	vor.u32 v4, v7;
	[tilespmem:v27+s20+$0x0] =	vst.idx.add.f32.msk vm0, v26  }
0x6d: {  	_ =	sdelay $0x4  }
0x6e: {  	[tilespmem:v17+s20+$0x0] =	vst.idx.add.f32.msk vm0, v10  }
0x6f: {  	v4 =	vld.idx.msk [tilespmem:v14+s3+$0x0], $0xffff;
	v61 =	vor.u32 v8, v9  }
0x70: {  	v62 =	vld.idx.msk [tilespmem:v15+s3+$0x0], $0xffff;
	v6 =	vor.u32 v8, v6  }
0x71: {  	v63 =	vld.idx.msk [tilespmem:v16+s3+$0x0], $0xffff;
	v7 =	vor.u32 v8, v7;
	s30 =	sadd.s32 $0x1, s30  }
0x72: {  	v3 =	vor.u32 v8, v5;
	v2 =	vld.idx.msk [tilespmem:v18+s3+$0x0], $0xffff;
	p0 =	sne.s32 s30, $0x8  }
.Ltmp4:
0x73: {  	[tilespmem:v13+s20+$0x0] =	vst.idx.add.f32.msk vm1, v11;
	(pc) =	sbr.rel @p0 .LBB2_9-.Ltmp4, $4  }
0x74: {  	[tilespmem:v61+s20+$0x0] =	vst.idx.add.f32.msk vm1, v4  }
0x75: {  	[tilespmem:v6+s20+$0x0] =	vst.idx.add.f32.msk vm1, v62  }
0x76: {  	[tilespmem:v7+s20+$0x0] =	vst.idx.add.f32.msk vm1, v63  }
0x77: {  	[tilespmem:v3+s20+$0x0] =	vst.idx.add.f32.msk vm1, v2  }
0x78: {  	p0 =	seq.s32 s26, $0x3  }
0x79: {  	s1 =	sadd.s32 @!p0 s29, s8  }
0x7a: {  	_ =	swait.ge [sflag:s21], $0x8000;
	s1 =	sshll.u32 @!p0 s1, $0x4  }
0x7b: {  	[sflag:s21] =	ssyncset.done $0x0;
	s1 =	sand.u32 @!p0 $0x1FFFE000, s1  }
0x7c: {  	s29 =	simm.s32 @!p0 $0x0;
	[sflag:s21] =	ssyncadd.s32 $0xFFFF8000;
	s1 =	sadd.s32 @!p0 s2, s1  }
0x7d: {  	[tilespmem:s29], [sflag:$0x1] =	stream.linear.gather @!p0 [hbm4b:s1+s29], $0x8000, $0x38;
	[tilespmem:$0x14300] =	vst v63  }
0x7e: {  	s29 =	simm.s32 $0x0  }
.LBB2_13:
0x7f: {  	s1 =	sshll.u32 s29, $0x5;
	v11 =	vlaneseq.u32  }
0x80: {  	s30 =	sor.u32 s28, s1;
	v2 =	vmov s1;
	v3 =	vmul.u32 $0x80, v11  }
0x81: {  	v5 =	vadd.s32 $0x1, v11;
	v4 =	vld [tilespmem:s30+$0x10000];
	v2 =	vshll.u32 v2, $0x7  }
0x82: {  	v6 =	vld [tilespmem:s30+$0x10800];
	v12 =	vand.u32 $0x7F, v5;
	v2 =	vor.u32 v3, v2;
	v3 =	vadd.s32 $0x2, v11  }
0x83: {  	v5 =	vadd.s32 $0x3, v11;
	v7 =	vor.u32 v2, v12;
	v13 =	vand.u32 $0x7F, v3  }
0x84: {  	v14 =	vand.u32 $0x7F, v5;
	v5 =	vor.u32 v2, v13  }
0x85: {  	s1 =	sand.u32 $0x7E0, s1;
	s30 =	sand.u32 $0x780, s28;
	v8 =	vor.u32 v2, v14  }
0x86: {  	s1 =	sor.u32 s30, s1  }
0x87: {  	v10 =	vld [tilespmem:s1+$0x10010];
	v3 =	vshll.u32 v4, $0x7;
	vm0 =	vge.f32 v6, $0.0e+00;
	v6 =	vor.u32 v2, v11  }
0x88: {  	v9 =	vor.u32 v3, v12;
	v7 =	vld.idx.msk [tilespmem:v7+s19+$0x0], $0xffff  }
0x89: {  	v15 =	vor.u32 v3, v13;
	v5 =	vld.idx.msk [tilespmem:v5+s19+$0x0], $0xffff  }
0x8a: {  	v4 =	vor.u32 $0x800, v2;
	v16 =	vor.u32 v3, v14;
	v8 =	vld.idx.msk [tilespmem:v8+s19+$0x0], $0xffff  }
0x8b: {  	v17 =	vld [tilespmem:s1+$0x10810];
	v20 =	vor.u32 v4, v12  }
0x8c: {  	v18 =	vor.u32 v4, v13;
	v19 =	vld.idx.msk [tilespmem:v6+s19+$0x0], $0xffff  }
0x8d: {  	v21 =	vor.u32 v3, v11;
	v6 =	vadd.s32 $0x4, v11;
	[tilespmem:v9+s20+$0x0] =	vst.idx.add.f32.msk vm0, v7  }
0x8e: {  	[tilespmem:v15+s20+$0x0] =	vst.idx.add.f32.msk vm0, v5;
	v15 =	vor.u32 v4, v11;
	v5 =	vand.u32 $0x7F, v6  }
0x8f: {  	[tilespmem:v16+s20+$0x0] =	vst.idx.add.f32.msk vm0, v8;
	v16 =	vor.u32 v2, v5;
	v6 =	vadd.s32 $0x1, v5  }
0x90: {  	v22 =	vor.u32 v4, v14;
	v20 =	vld.idx.msk [tilespmem:v20+s19+$0x0], $0xffff;
	v7 =	vadd.s32 $0x2, v5;
	v6 =	vand.u32 $0x7F, v6  }
0x91: {  	v18 =	vld.idx.msk [tilespmem:v18+s19+$0x0], $0xffff;
	v8 =	vadd.s32 $0x3, v5;
	v9 =	vand.u32 $0x7F, v7;
	v23 =	vor.u32 v2, v6  }
0x92: {  	v7 =	vand.u32 $0x7F, v8;
	[tilespmem:v21+s20+$0x0] =	vst.idx.add.f32.msk vm0, v19;
	v24 =	vor.u32 v2, v9  }
0x93: {  	vm1 =	vge.f32 v17, $0.0e+00;
	v8 =	vshll.u32 v10, $0x7;
	v17 =	vor.u32 v2, v7;
	v15 =	vld.idx.msk [tilespmem:v15+s19+$0x0], $0xffff  }
0x94: {  	v13 =	vor.u32 v8, v13;
	v10 =	vld.idx.msk [tilespmem:v16+s19+$0x0], $0xffff  }
0x95: {  	v12 =	vor.u32 v8, v12;
	v16 =	vor.u32 v8, v11;
	v11 =	vld.idx.msk [tilespmem:v22+s19+$0x0], $0xffff  }
0x96: {  	v19 =	vld.idx.msk [tilespmem:v23+s19+$0x0], $0xffff  }
0x97: {  	v60 =	vor.u32 v3, v6;
	v61 =	vld.idx.msk [tilespmem:v24+s19+$0x0], $0xffff  }
0x98: {  	v62 =	vor.u32 v3, v9;
	v63 =	vld.idx.msk [tilespmem:v17+s19+$0x0], $0xffff  }
0x99: {  	v25 =	vor.u32 v3, v7;
	[tilespmem:v13+s20+$0x0] =	vst.idx.add.f32.msk vm1, v18  }
0x9a: {  	[tilespmem:v12+s20+$0x0] =	vst.idx.add.f32.msk vm1, v20;
	v13 =	vor.u32 v8, v14  }
0x9b: {  	v14 =	vor.u32 v4, v9;
	[tilespmem:v16+s20+$0x0] =	vst.idx.add.f32.msk vm1, v15  }
0x9c: {  	v15 =	vor.u32 v4, v6;
	[tilespmem:v60+s20+$0x0] =	vst.idx.add.f32.msk vm0, v19  }
0x9d: {  	v17 =	vor.u32 v3, v5;
	v12 =	vadd.s32 $0x4, v5;
	[tilespmem:v62+s20+$0x0] =	vst.idx.add.f32.msk vm0, v61  }
0x9e: {  	s30 =	simm.s32 $0x4;
	v18 =	vor.u32 v4, v5;
	v12 =	vand.u32 $0x7F, v12;
	v16 =	vor.u32 v4, v7;
	[tilespmem:v25+s20+$0x0] =	vst.idx.add.f32.msk vm0, v63  }
.LBB2_14:
0x9f: {  	v19 =	vor.u32 v2, v12;
	v20 =	vadd.s32 $0x1, v12;
	v21 =	vadd.s32 $0x3, v12;
	s30 =	sadd.s32 $0x4, s30;
	[tilespmem:v13+s20+$0x0] =	vst.idx.add.f32.msk vm1, v11  }
0xa0: {  	v11 =	vadd.s32 $0x2, v12;
	v13 =	vand.u32 $0x7F, v20;
	v20 =	vand.u32 $0x7F, v21;
	p0 =	slt.u32 s30, $0x7C;
	v14 =	vld.idx.msk [tilespmem:v14+s19+$0x0], $0xffff  }
0xa1: {  	v22 =	vand.u32 $0x7F, v11;
	v21 =	vor.u32 v2, v13;
	v15 =	vld.idx.msk [tilespmem:v15+s19+$0x0], $0xffff  }
0xa2: {  	v23 =	vor.u32 v2, v22;
	[tilespmem:v17+s20+$0x0] =	vst.idx.add.f32.msk vm0, v10  }
0xa3: {  	v17 =	vor.u32 v2, v20;
	v18 =	vld.idx.msk [tilespmem:v18+s19+$0x0], $0xffff  }
0xa4: {  	v10 =	vld.idx.msk [tilespmem:v19+s19+$0x0], $0xffff;
	v19 =	vor.u32 v8, v5;
	v5 =	vmov v12  }
0xa5: {  	v24 =	vor.u32 v8, v9;
	v9 =	vmov v22;
	v11 =	vld.idx.msk [tilespmem:v16+s19+$0x0], $0xffff  }
0xa6: {  	v16 =	vld.idx.msk [tilespmem:v21+s19+$0x0], $0xffff;
	v21 =	vor.u32 v8, v6;
	v6 =	vmov v13  }
0xa7: {  	v22 =	vor.u32 v3, v6;
	v23 =	vld.idx.msk [tilespmem:v23+s19+$0x0], $0xffff  }
0xa8: {  	v25 =	vor.u32 v3, v9;
	v26 =	vld.idx.msk [tilespmem:v17+s19+$0x0], $0xffff  }
0xa9: {  	v27 =	vor.u32 v3, v20;
	[tilespmem:v19+s20+$0x0] =	vst.idx.add.f32.msk vm1, v18  }
.Ltmp5:
0xaa: {  	v13 =	vor.u32 v8, v7;
	v7 =	vmov v20;
	[tilespmem:v24+s20+$0x0] =	vst.idx.add.f32.msk vm1, v14;
	(pc) =	sbr.rel @p0 .LBB2_14-.Ltmp5, $4  }
0xab: {  	v14 =	vor.u32 v4, v9;
	[tilespmem:v21+s20+$0x0] =	vst.idx.add.f32.msk vm1, v15  }
0xac: {  	v15 =	vor.u32 v4, v6;
	[tilespmem:v22+s20+$0x0] =	vst.idx.add.f32.msk vm0, v16  }
0xad: {  	v17 =	vor.u32 v3, v12;
	v12 =	vadd.s32 $0x4, v12;
	[tilespmem:v25+s20+$0x0] =	vst.idx.add.f32.msk vm0, v23  }
0xae: {  	v18 =	vor.u32 v4, v5;
	v12 =	vand.u32 $0x7F, v12;
	v16 =	vor.u32 v4, v7;
	[tilespmem:v27+s20+$0x0] =	vst.idx.add.f32.msk vm0, v26  }
0xaf: {  	_ =	sdelay $0x4  }
0xb0: {  	[tilespmem:v17+s20+$0x0] =	vst.idx.add.f32.msk vm0, v10  }
0xb1: {  	v4 =	vld.idx.msk [tilespmem:v14+s19+$0x0], $0xffff;
	v61 =	vor.u32 v8, v9  }
0xb2: {  	v62 =	vld.idx.msk [tilespmem:v15+s19+$0x0], $0xffff;
	v6 =	vor.u32 v8, v6  }
0xb3: {  	v63 =	vld.idx.msk [tilespmem:v16+s19+$0x0], $0xffff;
	v7 =	vor.u32 v8, v7;
	s29 =	sadd.s32 $0x1, s29  }
0xb4: {  	v3 =	vor.u32 v8, v5;
	v2 =	vld.idx.msk [tilespmem:v18+s19+$0x0], $0xffff;
	p0 =	sne.s32 s29, $0x8  }
.Ltmp6:
0xb5: {  	[tilespmem:v13+s20+$0x0] =	vst.idx.add.f32.msk vm1, v11;
	(pc) =	sbr.rel @p0 .LBB2_13-.Ltmp6, $4  }
0xb6: {  	[tilespmem:v61+s20+$0x0] =	vst.idx.add.f32.msk vm1, v4  }
0xb7: {  	[tilespmem:v6+s20+$0x0] =	vst.idx.add.f32.msk vm1, v62  }
0xb8: {  	[tilespmem:v7+s20+$0x0] =	vst.idx.add.f32.msk vm1, v63  }
0xb9: {  	[tilespmem:v3+s20+$0x0] =	vst.idx.add.f32.msk vm1, v2  }
0xba: {  	s26 =	sadd.s32 $0x1, s26  }
0xbb: {  	p0 =	sne.s32 s26, $0x4  }
.Ltmp7:
0xbc: {  	_ = 	snop;
	(pc) =	sbr.rel @p0 .LBB2_8-.Ltmp7, $1  }
0xbd: {  	_ =	sdelay $0x3  }
0xbe: {  	v2 =	vld [tilespmem:$0x13800]  }
0xbf: {  	v3 =	vld [tilespmem:$0x13D00]  }
0xc0: {  	v20 =	vld [tilespmem:$0x13850]  }
0xc1: {  	v21 =	vld [tilespmem:$0x13D50]  }
0xc2: {  	v22 =	vld [tilespmem:$0x138A0]  }
0xc3: {  	v23 =	vld [tilespmem:$0x13DA0]  }
0xc4: {  	v24 =	vld [tilespmem:$0x138F0]  }
0xc5: {  	v25 =	vld [tilespmem:$0x13DF0]  }
0xc6: {  	v26 =	vld [tilespmem:$0x13940]  }
0xc7: {  	v27 =	vld [tilespmem:$0x13E40]  }
0xc8: {  	v28 =	vld [tilespmem:$0x13990]  }
0xc9: {  	v29 =	vld [tilespmem:$0x13E90]  }
0xca: {  	v30 =	vld [tilespmem:$0x139E0]  }
0xcb: {  	v31 =	vld [tilespmem:$0x13EE0]  }
0xcc: {  	v32 =	vld [tilespmem:$0x13A30]  }
0xcd: {  	v33 =	vld [tilespmem:$0x13F30]  }
0xce: {  	v34 =	vld [tilespmem:$0x13A80]  }
0xcf: {  	v35 =	vld [tilespmem:$0x13F80]  }
0xd0: {  	v36 =	vld [tilespmem:$0x13AD0]  }
0xd1: {  	v37 =	vld [tilespmem:$0x13FD0]  }
0xd2: {  	v38 =	vld [tilespmem:$0x13B20]  }
0xd3: {  	v39 =	vld [tilespmem:$0x14020]  }
0xd4: {  	v40 =	vld [tilespmem:$0x13B70]  }
0xd5: {  	v41 =	vld [tilespmem:$0x14070]  }
0xd6: {  	v42 =	vld [tilespmem:$0x13BC0]  }
0xd7: {  	v43 =	vld [tilespmem:$0x140C0]  }
0xd8: {  	v44 =	vld [tilespmem:$0x13C10]  }
0xd9: {  	v45 =	vld [tilespmem:$0x14110]  }
0xda: {  	v46 =	vld [tilespmem:$0x13C60]  }
0xdb: {  	v47 =	vld [tilespmem:$0x14160]  }
0xdc: {  	v48 =	vld [tilespmem:$0x13CB0]  }
0xdd: {  	v49 =	vld [tilespmem:$0x141B0]  }
0xde: {  	v50 =	vld [tilespmem:$0x13810]  }
0xdf: {  	v51 =	vld [tilespmem:$0x13D10]  }
0xe0: {  	v52 =	vld [tilespmem:$0x13860]  }
0xe1: {  	v53 =	vld [tilespmem:$0x13D60]  }
0xe2: {  	v54 =	vld [tilespmem:$0x138B0]  }
0xe3: {  	v55 =	vld [tilespmem:$0x13DB0]  }
0xe4: {  	v56 =	vld [tilespmem:$0x13900]  }
0xe5: {  	v57 =	vld [tilespmem:$0x13E00]  }
0xe6: {  	v58 =	vld [tilespmem:$0x13950]  }
0xe7: {  	v59 =	vld [tilespmem:$0x13E50]  }
0xe8: {  	v60 =	vld [tilespmem:$0x139A0]  }
0xe9: {  	v61 =	vld [tilespmem:$0x13EA0]  }
0xea: {  	v62 =	vld [tilespmem:$0x139F0]  }
0xeb: {  	v63 =	vld [tilespmem:$0x13EF0]  }
0xec: {  	v11 =	vld [tilespmem:$0x13A40]  }
0xed: {  	v12 =	vld [tilespmem:$0x13F40]  }
0xee: {  	v19 =	vld [tilespmem:$0x13A90]  }
0xef: {  	v18 =	vld [tilespmem:$0x13F90]  }
0xf0: {  	v17 =	vld [tilespmem:$0x13AE0]  }
0xf1: {  	v16 =	vld [tilespmem:$0x13FE0]  }
0xf2: {  	v15 =	vld [tilespmem:$0x13B30]  }
0xf3: {  	v14 =	vld [tilespmem:$0x14030]  }
0xf4: {  	v13 =	vld [tilespmem:$0x13B80]  }
0xf5: {  	v4 =	vld [tilespmem:$0x14080]  }
0xf6: {  	v9 =	vld [tilespmem:$0x13BD0]  }
0xf7: {  	v10 =	vld [tilespmem:$0x140D0]  }
0xf8: {  	v8 =	vld [tilespmem:$0x13C20]  }
0xf9: {  	v5 =	vld [tilespmem:$0x13D20]  }
0xfa: {  	v6 =	vld [tilespmem:$0x13870]  }
0xfb: {  	v7 =	vld [tilespmem:$0x13D70]  }
0xfc: {  	[tilespmem:$0x1FF80] =	vst v9;
	v9 =	vld [tilespmem:$0x14120]  }
0xfd: {  	[tilespmem:$0x1FF90] =	vst v10;
	v10 =	vld [tilespmem:$0x13C70]  }
0xfe: {  	[tilespmem:$0x1FFA0] =	vst v8;
	v8 =	vld [tilespmem:$0x14170];
	v2 =	vadd.f32 $0.0e+00, v2  }
0xff: {  	[tilespmem:$0x1FF70] =	vst v4;
	v4 =	vld [tilespmem:$0x13820];
	v3 =	vadd.f32 $0.0e+00, v3  }
0x100: {  	v50 =	vadd.f32 $0.0e+00, v50;
	v2 =	vadd.f32 v20, v2;
	v20 =	vld [tilespmem:$0x13E10]  }
0x101: {  	v5 =	vadd.f32 $0.0e+00, v5;
	v3 =	vadd.f32 v21, v3;
	v21 =	vld [tilespmem:$0x13960]  }
0x102: {  	v50 =	vadd.f32 v52, v50;
	v52 =	vld [tilespmem:$0x13DD0]  }
0x103: {  	v5 =	vadd.f32 v7, v5;
	v7 =	vld [tilespmem:$0x13970]  }
0x104: {  	v2 =	vadd.f32 v22, v2;
	v22 =	vld [tilespmem:$0x13E60]  }
0x105: {  	v3 =	vadd.f32 v23, v3;
	v23 =	vld [tilespmem:$0x139B0]  }
0x106: {  	v50 =	vadd.f32 v54, v50;
	v54 =	vld [tilespmem:$0x1FF70]  }
0x107: {  	[tilespmem:$0x1FFB0] =	vst v9;
	v9 =	vld [tilespmem:$0x13CC0]  }
0x108: {  	[tilespmem:$0x1FFC0] =	vst v10;
	v10 =	vld [tilespmem:$0x141C0]  }
0x109: {  	[tilespmem:$0x1FFD0] =	vst v8;
	v8 =	vld [tilespmem:$0x138C0]  }
0x10a: {  	v2 =	vadd.f32 v24, v2;
	v24 =	vld [tilespmem:$0x13EB0]  }
0x10b: {  	v4 =	vadd.f32 $0.0e+00, v4;
	v3 =	vadd.f32 v25, v3;
	v25 =	vld [tilespmem:$0x13A00]  }
0x10c: {  	v50 =	vadd.f32 v56, v50;
	v56 =	vld [tilespmem:$0x1FF90]  }
0x10d: {  	v4 =	vadd.f32 v6, v4;
	v6 =	vld [tilespmem:$0x13E20]  }
0x10e: {  	v2 =	vadd.f32 v26, v2;
	v26 =	vld [tilespmem:$0x13F00]  }
0x10f: {  	v3 =	vadd.f32 v27, v3;
	v27 =	vld [tilespmem:$0x13A50]  }
0x110: {  	v50 =	vadd.f32 v58, v50;
	v58 =	vld [tilespmem:$0x1FFB0]  }
0x111: {  	[tilespmem:$0x1FFE0] =	vst v9;
	v9 =	vld [tilespmem:$0x13DC0]  }
0x112: {  	[tilespmem:$0x1FFF0] =	vst v10;
	v10 =	vld [tilespmem:$0x13910]  }
0x113: {  	v2 =	vadd.f32 v28, v2;
	v28 =	vld [tilespmem:$0x13F50]  }
0x114: {  	v3 =	vadd.f32 v29, v3;
	v29 =	vld [tilespmem:$0x13AA0]  }
0x115: {  	v4 =	vadd.f32 v8, v4;
	v8 =	vld [tilespmem:$0x13E70]  }
0x116: {  	v50 =	vadd.f32 v60, v50;
	v60 =	vld [tilespmem:$0x1FFD0]  }
0x117: {  	v2 =	vadd.f32 v30, v2;
	v30 =	vld [tilespmem:$0x13FA0]  }
0x118: {  	v3 =	vadd.f32 v31, v3;
	v31 =	vld [tilespmem:$0x13AF0]  }
0x119: {  	v50 =	vadd.f32 v62, v50;
	v62 =	vld [tilespmem:$0x1FFE0]  }
0x11a: {  	v2 =	vadd.f32 v32, v2;
	v32 =	vld [tilespmem:$0x13FF0]  }
0x11b: {  	v3 =	vadd.f32 v33, v3;
	v33 =	vld [tilespmem:$0x13B40]  }
0x11c: {  	v5 =	vadd.f32 v9, v5;
	v9 =	vld [tilespmem:$0x139C0]  }
0x11d: {  	v4 =	vadd.f32 v10, v4;
	v10 =	vld [tilespmem:$0x13EC0]  }
0x11e: {  	v11 =	vadd.f32 v11, v50;
	v2 =	vadd.f32 v34, v2;
	v34 =	vld [tilespmem:$0x14040]  }
0x11f: {  	v3 =	vadd.f32 v35, v3;
	v35 =	vld [tilespmem:$0x13B90]  }
0x120: {  	v11 =	vadd.f32 v19, v11;
	v19 =	vld [tilespmem:$0x14000]  }
0x121: {  	v5 =	vadd.f32 v20, v5;
	v20 =	vld [tilespmem:$0x13A10]  }
0x122: {  	v4 =	vadd.f32 v21, v4;
	v21 =	vld [tilespmem:$0x13F10]  }
0x123: {  	v2 =	vadd.f32 v36, v2;
	v36 =	vld [tilespmem:$0x14090]  }
0x124: {  	v3 =	vadd.f32 v37, v3;
	v37 =	vld [tilespmem:$0x13BE0]  }
0x125: {  	v11 =	vadd.f32 v17, v11;
	v17 =	vld [tilespmem:$0x14050]  }
0x126: {  	v5 =	vadd.f32 v22, v5;
	v22 =	vld [tilespmem:$0x13A60]  }
0x127: {  	v4 =	vadd.f32 v23, v4;
	v23 =	vld [tilespmem:$0x13F60]  }
0x128: {  	v2 =	vadd.f32 v38, v2;
	v38 =	vld [tilespmem:$0x140E0]  }
0x129: {  	v3 =	vadd.f32 v39, v3;
	v39 =	vld [tilespmem:$0x13C30]  }
0x12a: {  	v11 =	vadd.f32 v15, v11;
	v15 =	vld [tilespmem:$0x140A0]  }
0x12b: {  	v5 =	vadd.f32 v24, v5;
	v24 =	vld [tilespmem:$0x13AB0];
	v3 =	vadd.f32 v41, v3  }
0x12c: {  	v4 =	vadd.f32 v25, v4;
	v25 =	vld [tilespmem:$0x13FB0]  }
0x12d: {  	v2 =	vadd.f32 v40, v2;
	v40 =	vld [tilespmem:$0x14130];
	v3 =	vadd.f32 v43, v3  }
0x12e: {  	v41 =	vld [tilespmem:$0x13C80]  }
0x12f: {  	v11 =	vadd.f32 v13, v11;
	v13 =	vld [tilespmem:$0x140F0];
	v3 =	vadd.f32 v45, v3  }
0x130: {  	v5 =	vadd.f32 v26, v5;
	v26 =	vld [tilespmem:$0x13B00]  }
0x131: {  	v4 =	vadd.f32 v27, v4;
	v27 =	vld [tilespmem:$0x13C40];
	v47 =	vadd.f32 v47, v3  }
0x132: {  	v2 =	vadd.f32 v42, v2;
	v42 =	vld [tilespmem:$0x14180]  }
0x133: {  	v43 =	vld [tilespmem:$0x13CD0];
	v47 =	vadd.f32 v49, v47;
	v49 =	vadd.f32 $0.0e+00, v51  }
0x134: {  	v5 =	vadd.f32 v28, v5;
	v28 =	vld [tilespmem:$0x14140]  }
0x135: {  	v4 =	vadd.f32 v29, v4;
	v29 =	vld [tilespmem:$0x13C90];
	v49 =	vadd.f32 v53, v49  }
0x136: {  	v2 =	vadd.f32 v44, v2;
	v44 =	vld [tilespmem:$0x141D0]  }
0x137: {  	v45 =	vld [tilespmem:$0x13830];
	v49 =	vadd.f32 v55, v49  }
0x138: {  	v5 =	vadd.f32 v30, v5;
	v30 =	vld [tilespmem:$0x14190]  }
0x139: {  	v4 =	vadd.f32 v31, v4;
	v31 =	vld [tilespmem:$0x13CE0];
	v49 =	vadd.f32 v57, v49  }
0x13a: {  	v2 =	vadd.f32 v46, v2;
	v46 =	vld [tilespmem:$0x13D30]  }
0x13b: {  	v3 =	vld [tilespmem:$0x13880];
	v49 =	vadd.f32 v59, v49  }
0x13c: {  	v5 =	vadd.f32 v32, v5;
	v4 =	vadd.f32 v33, v4;
	v32 =	vld [tilespmem:$0x141E0]  }
0x13d: {  	v48 =	vadd.f32 v48, v2;
	v2 =	vld [tilespmem:$0x13D80];
	v49 =	vadd.f32 v61, v49  }
0x13e: {  	v51 =	vld [tilespmem:$0x138D0];
	v5 =	vadd.f32 v34, v5;
	v4 =	vadd.f32 v35, v4  }
0x13f: {  	v50 =	vadd.f32 $0.0e+00, v45;
	v45 =	vld [tilespmem:$0x13FC0];
	v49 =	vadd.f32 v63, v49  }
0x140: {  	v53 =	vld [tilespmem:$0x13920];
	v5 =	vadd.f32 v36, v5  }
0x141: {  	v4 =	vadd.f32 v37, v4;
	v55 =	vld [tilespmem:$0x1FF80];
	v12 =	vadd.f32 v12, v49  }
0x142: {  	v3 =	vadd.f32 v3, v50;
	v50 =	vld [tilespmem:$0x13B60];
	v5 =	vadd.f32 v38, v5  }
0x143: {  	v4 =	vadd.f32 v39, v4;
	v38 =	vld [tilespmem:$0x13ED0];
	v12 =	vadd.f32 v18, v12  }
0x144: {  	v3 =	vadd.f32 v51, v3;
	v57 =	vld [tilespmem:$0x1FFA0];
	v5 =	vadd.f32 v40, v5  }
0x145: {  	v4 =	vadd.f32 v41, v4;
	v41 =	vld [tilespmem:$0x1FFF0];
	v12 =	vadd.f32 v16, v12  }
0x146: {  	v3 =	vadd.f32 v53, v3;
	v59 =	vld [tilespmem:$0x1FFC0];
	v11 =	vadd.f32 v55, v11  }
0x147: {  	v5 =	vadd.f32 v42, v5;
	v61 =	vld [tilespmem:$0x13840];
	v12 =	vadd.f32 v14, v12  }
0x148: {  	v4 =	vadd.f32 v43, v4;
	v55 =	vadd.f32 $0.0e+00, v46;
	v63 =	vld [tilespmem:$0x13D40]  }
0x149: {  	v3 =	vadd.f32 v7, v3;
	v49 =	vld [tilespmem:$0x13890];
	v12 =	vadd.f32 v54, v12  }
0x14a: {  	v11 =	vadd.f32 v57, v11;
	v5 =	vadd.f32 v44, v5;
	v54 =	vld [tilespmem:$0x13D90]  }
0x14b: {  	v2 =	vadd.f32 v2, v55;
	v12 =	vadd.f32 v56, v12;
	v56 =	vld [tilespmem:$0x138E0]  }
0x14c: {  	v57 =	vld [tilespmem:$0x13DE0];
	v11 =	vadd.f32 v59, v11;
	v33 =	vadd.f32 $0.0e+00, v61  }
0x14d: {  	v34 =	vadd.f32 $0.0e+00, v63;
	v12 =	vadd.f32 v58, v12;
	v58 =	vld [tilespmem:$0x13930]  }
0x14e: {  	v59 =	vld [tilespmem:$0x13E30];
	v2 =	vadd.f32 v52, v2;
	v33 =	vadd.f32 v49, v33  }
0x14f: {  	v34 =	vadd.f32 v54, v34;
	v12 =	vadd.f32 v60, v12;
	v60 =	vld [tilespmem:$0x13980]  }
0x150: {  	v11 =	vadd.f32 v62, v11;
	v61 =	vld [tilespmem:$0x13E80];
	v33 =	vadd.f32 v56, v33  }
0x151: {  	v2 =	vadd.f32 v6, v2;
	v63 =	vld [tilespmem:$0x139D0];
	v62 =	vadd.f32 v57, v34  }
0x152: {  	v51 =	vld [tilespmem:$0x14060];
	v3 =	vadd.f32 v9, v3;
	v36 =	vadd.f32 v58, v33  }
0x153: {  	v40 =	vld [tilespmem:$0x13A20];
	v2 =	vadd.f32 v8, v2;
	v6 =	vadd.f32 v59, v62  }
0x154: {  	v12 =	vadd.f32 v41, v12;
	v41 =	vld [tilespmem:$0x13F20];
	v7 =	vadd.f32 v60, v36  }
0x155: {  	v42 =	vld [tilespmem:$0x13A70];
	v2 =	vadd.f32 v10, v2;
	v6 =	vadd.f32 v61, v6  }
0x156: {  	v43 =	vld [tilespmem:$0x13F70];
	v3 =	vadd.f32 v20, v3;
	v7 =	vadd.f32 v63, v7  }
0x157: {  	v44 =	vld [tilespmem:$0x13AC0];
	v2 =	vadd.f32 v21, v2;
	v6 =	vadd.f32 v38, v6  }
0x158: {  	v46 =	vld [tilespmem:$0x13B10];
	v3 =	vadd.f32 v22, v3;
	v7 =	vadd.f32 v40, v7  }
0x159: {  	v18 =	vld [tilespmem:$0x13B50];
	v2 =	vadd.f32 v23, v2;
	v6 =	vadd.f32 v41, v6  }
0x15a: {  	v3 =	vadd.f32 v24, v3;
	v49 =	vld [tilespmem:$0x14010];
	v7 =	vadd.f32 v42, v7  }
0x15b: {  	v16 =	vld [tilespmem:$0x13BA0];
	v2 =	vadd.f32 v25, v2;
	v6 =	vadd.f32 v43, v6  }
0x15c: {  	v52 =	vld [tilespmem:$0x13BB0];
	v3 =	vadd.f32 v26, v3;
	v7 =	vadd.f32 v44, v7  }
0x15d: {  	v14 =	vld [tilespmem:$0x13BF0];
	v2 =	vadd.f32 v19, v2;
	v6 =	vadd.f32 v45, v6  }
0x15e: {  	v53 =	vld [tilespmem:$0x140B0];
	v3 =	vadd.f32 v18, v3;
	v7 =	vadd.f32 v46, v7  }
0x15f: {  	v54 =	vld [tilespmem:$0x13C00];
	v2 =	vadd.f32 v17, v2;
	v6 =	vadd.f32 v49, v6  }
0x160: {  	v55 =	vld [tilespmem:$0x14100];
	v3 =	vadd.f32 v16, v3;
	v7 =	vadd.f32 v50, v7  }
0x161: {  	v56 =	vld [tilespmem:$0x13C50];
	v2 =	vadd.f32 v15, v2;
	v6 =	vadd.f32 v51, v6  }
0x162: {  	v3 =	vadd.f32 v14, v3;
	v57 =	vld [tilespmem:$0x14150];
	v7 =	vadd.f32 v52, v7  }
0x163: {  	v58 =	vld [tilespmem:$0x13CA0];
	v2 =	vadd.f32 v13, v2;
	v6 =	vadd.f32 v53, v6  }
0x164: {  	[tilespmem:$0x14200] =	vst v48;
	v3 =	vadd.f32 v27, v3;
	v59 =	vld [tilespmem:$0x141A0];
	v7 =	vadd.f32 v54, v7  }
0x165: {  	[tilespmem:$0x14280] =	vst v47;
	v60 =	vld [tilespmem:$0x13CF0];
	v2 =	vadd.f32 v28, v2;
	v6 =	vadd.f32 v55, v6  }
0x166: {  	[tilespmem:$0x14220] =	vst v4;
	v3 =	vadd.f32 v29, v3;
	v61 =	vld [tilespmem:$0x141F0];
	v7 =	vadd.f32 v56, v7  }
0x167: {  	[tilespmem:$0x142A0] =	vst v5;
	v2 =	vadd.f32 v30, v2;
	v6 =	vadd.f32 v57, v6  }
0x168: {  	[tilespmem:$0x14210] =	vst v11;
	v3 =	vadd.f32 v31, v3;
	v62 =	vadd.f32 v58, v7  }
0x169: {  	[tilespmem:$0x14290] =	vst v12;
	v2 =	vadd.f32 v32, v2;
	v63 =	vadd.f32 v59, v6  }
0x16a: {  	[tilespmem:$0x14230] =	vst v3;
	v3 =	vadd.f32 v60, v62  }
0x16b: {  	[tilespmem:$0x142B0] =	vst v2;
	v2 =	vadd.f32 v61, v63  }
0x16c: {  	[tilespmem:$0x14240] =	vst v3  }
0x16d: {  	[tilespmem:$0x142C0] =	vst v2  }
0x16e: {  	[hbm4b:s9+s3] =	stream.linear.scatter [tilespmem:s20], [sflag:$0x3], $0x2800, $0x38;
	[tilespmem:$0x14300] =	vst v63  }
0x16f: {  	_ =	swait.ge [sflag:s14], $0x2800  }
0x170: {  	[sflag:s14] =	ssyncset.done $0x0  }
0x171: {  	[sflag:s14] =	ssyncadd.s32 $0xFFFFD800  }
0x172: {  	[hbm4b:s10+s3] =	stream.linear.scatter [tilespmem:s22], [sflag:$0x3], $0x80, $0x38;
	[tilespmem:$0x14300] =	vst v63  }
0x173: {  	s24 =	sadd.s32 $0x1, s24;
	_ =	swait.ge [sflag:s14], $0x80  }
0x174: {  	p0 =	sne.s32 s24, s12;
	[sflag:s14] =	ssyncset.done $0x0  }
.Ltmp8:
0x175: {  	[sflag:s14] =	ssyncadd.s32 $0xFFFFFF80;
	(pc) =	sbr.rel @p0 .LBB2_1-.Ltmp8, $4  }
0x176: {  	[hbm4b:s11+s3] =	stream.linear.scatter [tilespmem:s23], [sflag:$0x3], $0x80, $0x38;
	[tilespmem:$0x14300] =	vst v63  }
0x177: {  	_ =	swait.ge [sflag:s14], $0x80  }
0x178: {  	[sflag:s14] =	ssyncset.done $0x0  }
0x179: {  	[sflag:s14] =	ssyncadd.s32 $0xFFFFFF80  }
0x17a: {  	_ =	sfence.sel $0x180000  }
0x17b: {  	[bflag:$0x0] =	sbarrier.arrive $0xFFFF  }
0x17c: {  	_ =	strace $0x90000047  }
0x17d: {  	[bflag:$0x2] =	sbarrier.arrive $0xFFFF  }
0x17e: {  	p0 =	sne.s32 s0, $0x0;
	s0 =	rddreg [dreg:$0x2]  }
0x17f: {  	s0 =	sadd.s32 @!p0 $0x100000, s0  }
0x180: {  	[sflag:s0] =	ssyncadd.tile.s32 @!p0 $0x1;
	_ =	shalt  }
.Lfunc_end2:
_tile_overlayer_lowered:
.L_overlay_start_2:
0x181: {  	(tag) =	ssettag $0x2  }
0x182: {  	s0 =	rddreg [dreg:$0x0];
	s2 =	stileid.u32  }
0x183: {  	s1 =	rddreg [dreg:$0x1];
	p0 =	sne.s32 s2, $0x0  }
0x184: {  	s3 =	rddreg [dreg:$0x2];
	[bflag:$0x3] =	sbarrier.arrive $0xFFFF;
	s2 =	simm.s32 @!p0 $0x1C03  }
0x185: {  	[timem:s3], [sflag:s2] =	dma.local @!p0 [hbm:s0], s1  }
0x186: {  	s0 =	simm.s32 @!p0 $0x3  }
0x187: {  	_ =	swait.ge @!p0 [sflag:s0], s1  }
0x188: {  	s1 =	ssub.s32 @!p0 $0x0, s1;
	[sflag:s0] =	ssyncset.done @!p0 $0x0  }
0x189: {  	[sflag:s0] =	ssyncadd.s32 @!p0 s1  }
0x18a: {  	[bflag:$0x3] =	sbarrier.arrive $0xFFFF  }
0x18b: {  	_ =	shalt  }

</sc_bundles>
